<compile_context>
chip_gen: v7x
topology: tpu7x:2x2x1
jax: 0.10.2.dev20260603
libtpu: 0.0.44.dev20260713+nightly
codegen_flags: <defaults>
</compile_context>

<pallas_src>
import functools

import jax
import jax.numpy as jnp
from jax import lax
from jax.experimental import pallas as pl
from jax.experimental.pallas import tpu as pltpu
from jax.experimental.pallas import tpu_sc as plsc

_TIME = 288
_NWEEK = 7
_CTROW = 2048
_B, _T, _N, _F = 64, 12, 2048, 128
_NC, _NS, _L = 2, 16, 16
_NW = _NC * _NS
_FPW = _F // _NW
_BPS = _B // _NS
_CHUNKS = _N // _L


def _body(xs_hbm, td_hbm, tw_hbm, out_hbm,
          td_v, tw_v, ct_v, fbuf_v, wbuf_v, idx_v,
          ib0, ib1, or0, or1, idx_sh, sem_in, sem_out):
    cid = lax.axis_index("c")
    sid = lax.axis_index("s")
    wid = sid * _NC + cid
    f0 = wid * _FPW
    iota = lax.iota(jnp.int32, _L)

    with jax.named_scope("tables_in"):
        pltpu.sync_copy(td_hbm, td_v)
        pltpu.sync_copy(tw_hbm, tw_v)

    def _build(c, carry):
        dvec = c * _L + iota
        for fl in range(_FPW):
            fvec = iota * 0 + (f0 + fl)
            tdcol = plsc.load_gather(td_v, [dvec, fvec])
            for w in range(_NWEEK):
                twcol = plsc.load_gather(tw_v, [iota * 0 + w, fvec])
                ct_v[pl.ds(fl * _CTROW + w * _TIME + c * _L, _L)] = (
                    tdcol + twcol)
        return carry

    with jax.named_scope("ct_build"):
        lax.fori_loop(0, _TIME // _L, _build, 0)

    for i in range(_BPS):
        bb = sid * _BPS + i
        pltpu.sync_copy(xs_hbm.at[bb, 0], fbuf_v)
        pltpu.sync_copy(xs_hbm.at[bb, 1], wbuf_v)

        @plsc.parallel_loop(0, _CHUNKS, unroll=2)
        def _decode(c):
            frac = fbuf_v[pl.ds(c * _L, _L)]
            wraw = wbuf_v[pl.ds(c * _L, _L)]
            d = (frac * float(_TIME)).astype(jnp.int32)
            d = jnp.minimum(jnp.maximum(d, 0), _TIME - 1)
            w = wraw.astype(jnp.int32)
            w = jnp.minimum(jnp.maximum(w, 0), 6)
            idx_v[pl.ds(c * _L, _L)] = w * _TIME + d
        pltpu.sync_copy(idx_v, idx_sh.at[bb])

    with jax.named_scope("phaseA_barrier"):
        plsc.subcore_barrier()

    ibufs = (ib0, ib1)
    obufs = (or0, or1)

    def _in_copy(b, buf):
        return pltpu.make_async_copy(idx_sh.at[b], buf, sem_in)

    def _out_copy(b, buf):
        return pltpu.make_async_copy(buf, out_hbm.at[b, pl.ds(f0, _FPW)],
                                     sem_out)

    _in_copy(0, ibufs[0]).start()

    def _pair(g, carry):
        for j in range(2):
            b = g * 2 + j
            ib = ibufs[j]
            orow = obufs[j]
            _in_copy(b, ib).wait()

            @pl.when(b + 1 < _B)
            def _prefetch():
                _in_copy(b + 1, ibufs[1 - j]).start()

            @pl.when(b >= 2)
            def _drain():
                _out_copy(b - 2, orow).wait()

            @plsc.parallel_loop(0, _CHUNKS, unroll=8)
            def _chunk(c):
                base = c * _L
                cidx = ib[pl.ds(base, _L)]
                for fl in range(_FPW):
                    v = plsc.load_gather(
                        ct_v.at[pl.ds(fl * _CTROW, _CTROW)], [cidx])
                    orow[fl, pl.ds(base, _L)] = v
            _out_copy(b, orow).start()
        return carry

    with jax.named_scope("phaseB"):
        lax.fori_loop(0, _B // 2, _pair, 0)
        _out_copy(_B - 2, obufs[0]).wait()
        _out_copy(_B - 1, obufs[1]).wait()


@jax.jit
def _run(xs, time_day_flat, time_week_flat):
    mesh = plsc.VectorSubcoreMesh(core_axis_name="c", subcore_axis_name="s")
    k = functools.partial(
        pl.kernel,
        out_type=jax.ShapeDtypeStruct((_B, _F, _N), jnp.float32),
        mesh=mesh,
        compiler_params=pltpu.CompilerParams(needs_layout_passes=False),
        scratch_types=[
            pltpu.VMEM((_TIME, _F), jnp.float32),
            pltpu.VMEM((7, _F), jnp.float32),
            pltpu.VMEM((_FPW * _CTROW,), jnp.float32),
            pltpu.VMEM((_N,), jnp.float32),
            pltpu.VMEM((_N,), jnp.float32),
            pltpu.VMEM((_N,), jnp.int32),
            pltpu.VMEM((_N,), jnp.int32),
            pltpu.VMEM((_N,), jnp.int32),
            pltpu.VMEM((_FPW, _N), jnp.float32),
            pltpu.VMEM((_FPW, _N), jnp.float32),
            pltpu.VMEM_SHARED((_B, _N), jnp.int32),
            pltpu.SemaphoreType.DMA,
            pltpu.SemaphoreType.DMA,
        ],
    )(_body)
    return k(xs, time_day_flat, time_week_flat)


def kernel(x, time_day, time_week):
    xs = x[:, -1, :, 1:3].transpose(0, 2, 1)
    out = _run(xs, time_day, time_week)
    return out[..., None]

# --- scband reference (transcript-rebuilt; emitter-appended) ---
"""Pipeline reference for scband-temporal-embedding-7533372637843 (READ-ONLY COPY).

The authoritative reference and input builder live on the scoring server;
editing this copy changes nothing except your own understanding.
"""

import jax, jax.numpy as jnp
import numpy as np

TIME = 288
FEATURES = 128

def setup_inputs(seed: int = 0) -> dict:
    key = jax.random.key(seed)
    k1, k2, k3 = jax.random.split(key, 3)
    # x: [B, T, N, C] with C>=3; channel 1 = time-of-day in [0,1), channel 2 = day-of-week index
    x = jax.random.uniform(k1, (64, 12, 2048, 3), dtype=jnp.float32)
    # xavier_uniform init for the two embedding tables
    bound_d = float(np.sqrt(6.0 / (TIME + FEATURES)))
    time_day = jax.random.uniform(k2, (TIME, FEATURES), minval=-bound_d, maxval=bound_d, dtype=jnp.float32)
    bound_w = float(np.sqrt(6.0 / (7 + FEATURES)))
    time_week = jax.random.uniform(k3, (7, FEATURES), minval=-bound_w, maxval=bound_w, dtype=jnp.float32)
    return {"x": x, "time_day": time_day, "time_week": time_week}

def reference(x, time_day, time_week):
    # day embedding: fractional time-of-day at last timestep -> slot index
    day_emb = x[..., 1]                                   # [B, T, N]
    idx_day = (day_emb[:, -1, :] * TIME).astype(jnp.int32)  # [B, N]
    td = jnp.take(time_day, idx_day, axis=0)              # [B, N, F]
    td = jnp.transpose(td, (0, 2, 1))[..., None]          # [B, F, N, 1]
    # week embedding: day-of-week at last timestep
    week_emb = x[..., 2]                                   # [B, T, N]
    idx_week = week_emb[:, -1, :].astype(jnp.int32)        # [B, N]
    tw = jnp.take(time_week, idx_week, axis=0)             # [B, N, F]
    tw = jnp.transpose(tw, (0, 2, 1))[..., None]           # [B, F, N, 1]
    return td + tw

if __name__ == "__main__":
    import jax
    _d = setup_inputs()
    print(jax.jit(kernel)(*tuple(_d.values())))

</pallas_src>

<mosaic_0001>
#map = affine_map<(d0, d1) -> (0, 0, 0)>
#map1 = affine_map<(d0, d1) -> (0, 0)>
module attributes {stable_mosaic.version = 14 : i64} {
  func.func @_body(%arg0: i32, %arg1: i32, %arg2: memref<64x2x2048xf32, #tpu.memory_space<hbm>>, %arg3: memref<288x128xf32, #tpu.memory_space<hbm>>, %arg4: memref<7x128xf32, #tpu.memory_space<hbm>>, %arg5: memref<64x128x2048xf32, #tpu.memory_space<hbm>>, %arg6: memref<288x128xf32, #tpu.memory_space<vmem>>, %arg7: memref<7x128xf32, #tpu.memory_space<vmem>>, %arg8: memref<8192xf32, #tpu.memory_space<vmem>>, %arg9: memref<2048xf32, #tpu.memory_space<vmem>>, %arg10: memref<2048xf32, #tpu.memory_space<vmem>>, %arg11: memref<2048xi32, #tpu.memory_space<vmem>>, %arg12: memref<2048xi32, #tpu.memory_space<vmem>>, %arg13: memref<2048xi32, #tpu.memory_space<vmem>>, %arg14: memref<4x2048xf32, #tpu.memory_space<vmem>>, %arg15: memref<4x2048xf32, #tpu.memory_space<vmem>>, %arg16: memref<64x2048xi32, #tpu.memory_space<vmem_shared>>, %arg17: memref<!tpu.dma_semaphore, #tpu.memory_space<semaphore_mem>>, %arg18: memref<!tpu.dma_semaphore, #tpu.memory_space<semaphore_mem>>) attributes {dimension_semantics = [#tpu.dimension_semantics<core_parallel>, #tpu.dimension_semantics<subcore_parallel>], iteration_bounds = array<i64: 2, 16>, scalar_prefetch = 0 : i64, scratch_operands = 13 : i64, tpu.core_type = #tpu.core_type<sc_vector_subcore>, window_params = [{transform_indices = #map}, {transform_indices = #map1}, {transform_indices = #map1}, {transform_indices = #map}]} {
    %mul3A = arith.constant 2 : i32
    %mul3A_0 = arith.muli %arg1, %mul3A : i32
    %add3A = arith.addi %mul3A_0, %arg0 : i32
    %mul3A_1 = arith.constant 4 : i32
    %mul3A_2 = arith.muli %add3A, %mul3A_1 : i32
    %iota3A = tpu.iota {dimensions = array<i32: 0>} : vector<16xi32>
    "tpu.trace_start"() <{level = 10 : i32, message = "tables_in"}> : () -> ()
    "tpu.region"() ({
      %run_scoped3A_67 = tpu.sem_alloc : memref<!tpu.dma_semaphore, #tpu.memory_space<semaphore_mem>>
      tpu.enqueue_dma source(%arg3 : memref<288x128xf32, #tpu.memory_space<hbm>>) target(%arg6 : memref<288x128xf32, #tpu.memory_space<vmem>>) target_semaphore(%run_scoped3A_67 : memref<!tpu.dma_semaphore, #tpu.memory_space<semaphore_mem>>)
      tpu.wait_dma2 semaphore(%run_scoped3A_67 : memref<!tpu.dma_semaphore, #tpu.memory_space<semaphore_mem>>) src(%arg3 : memref<288x128xf32, #tpu.memory_space<hbm>>) dst(%arg6 : memref<288x128xf32, #tpu.memory_space<vmem>>)
      tpu.yield
    }) : () -> ()
    "tpu.region"() ({
      %run_scoped3A_67 = tpu.sem_alloc : memref<!tpu.dma_semaphore, #tpu.memory_space<semaphore_mem>>
      tpu.enqueue_dma source(%arg4 : memref<7x128xf32, #tpu.memory_space<hbm>>) target(%arg7 : memref<7x128xf32, #tpu.memory_space<vmem>>) target_semaphore(%run_scoped3A_67 : memref<!tpu.dma_semaphore, #tpu.memory_space<semaphore_mem>>)
      tpu.wait_dma2 semaphore(%run_scoped3A_67 : memref<!tpu.dma_semaphore, #tpu.memory_space<semaphore_mem>>) src(%arg4 : memref<7x128xf32, #tpu.memory_space<hbm>>) dst(%arg7 : memref<7x128xf32, #tpu.memory_space<vmem>>)
      tpu.yield
    }) : () -> ()
    "tpu.trace_stop"() : () -> ()
    "tpu.trace_start"() <{level = 10 : i32, message = "ct_build"}> : () -> ()
    %scan3A = arith.constant 0 : i32
    %scan3A_3 = arith.constant 0 : i32
    %scan3A_4 = arith.constant 18 : i32
    %scan3A_5 = arith.addi %scan3A_3, %scan3A_4 : i32
    %scan3A_6 = arith.constant 1 : i32
    scf.for %scan3A_67 = %scan3A_3 to %scan3A_5 step %scan3A_6  : i32 {
      %mul3A_68 = arith.constant 16 : i32
      %mul3A_69 = arith.muli %scan3A_67, %mul3A_68 : i32
      %add3A_70 = vector.broadcast %mul3A_69 : i32 to vector<16xi32>
      %add3A_71 = arith.addi %add3A_70, %iota3A : vector<16xi32>
      %mul3A_72 = arith.constant 0 : i32
      %mul3A_73 = vector.broadcast %mul3A_72 : i32 to vector<16xi32>
      %mul3A_74 = arith.muli %iota3A, %mul3A_73 : vector<16xi32>
      %add3A_75 = arith.constant 0 : i32
      %add3A_76 = arith.addi %mul3A_2, %add3A_75 : i32
      %add3A_77 = vector.broadcast %add3A_76 : i32 to vector<16xi32>
      %add3A_78 = arith.addi %mul3A_74, %add3A_77 : vector<16xi32>
      %gather3A = tpu.vector_load_idx %arg6[%add3A_71, %add3A_78] : memref<288x128xf32, #tpu.memory_space<vmem>>[vector<16xi32>, vector<16xi32>], vector<16xf32>,
      %mul3A_79 = arith.constant 0 : i32
      %mul3A_80 = vector.broadcast %mul3A_79 : i32 to vector<16xi32>
      %mul3A_81 = arith.muli %iota3A, %mul3A_80 : vector<16xi32>
      %add3A_82 = arith.constant 0 : i32
      %add3A_83 = vector.broadcast %add3A_82 : i32 to vector<16xi32>
      %add3A_84 = arith.addi %mul3A_81, %add3A_83 : vector<16xi32>
      %gather3A_85 = tpu.vector_load_idx %arg7[%add3A_84, %add3A_78] : memref<7x128xf32, #tpu.memory_space<vmem>>[vector<16xi32>, vector<16xi32>], vector<16xf32>,
      %add3A_86 = arith.addf %gather3A, %gather3A_85 : vector<16xf32>
      %mul3A_87 = arith.constant 16 : i32
      %mul3A_88 = arith.muli %scan3A_67, %mul3A_87 : i32
      %add3A_89 = arith.constant 0 : i32
      %add3A_90 = arith.addi %add3A_89, %mul3A_88 : i32
      %swap3A = arith.index_cast %add3A_90 : i32 to index
      %swap3A_91 = tpu.vector_load %arg8[%swap3A] {strides = array<i32>} : memref<8192xf32, #tpu.memory_space<vmem>>, vector<16xf32>,
      tpu.vector_store %arg8[%swap3A], %add3A_86 {strides = array<i32>} : memref<8192xf32, #tpu.memory_space<vmem>>, vector<16xf32>,
      %mul3A_92 = arith.constant 0 : i32
      %mul3A_93 = vector.broadcast %mul3A_92 : i32 to vector<16xi32>
      %mul3A_94 = arith.muli %iota3A, %mul3A_93 : vector<16xi32>
      %add3A_95 = arith.constant 1 : i32
      %add3A_96 = vector.broadcast %add3A_95 : i32 to vector<16xi32>
      %add3A_97 = arith.addi %mul3A_94, %add3A_96 : vector<16xi32>
      %gather3A_98 = tpu.vector_load_idx %arg7[%add3A_97, %add3A_78] : memref<7x128xf32, #tpu.memory_space<vmem>>[vector<16xi32>, vector<16xi32>], vector<16xf32>,
      %add3A_99 = arith.addf %gather3A, %gather3A_98 : vector<16xf32>
      %mul3A_100 = arith.constant 16 : i32
      %mul3A_101 = arith.muli %scan3A_67, %mul3A_100 : i32
      %add3A_102 = arith.constant 288 : i32
      %add3A_103 = arith.addi %add3A_102, %mul3A_101 : i32
      %swap3A_104 = arith.index_cast %add3A_103 : i32 to index
      %swap3A_105 = tpu.vector_load %arg8[%swap3A_104] {strides = array<i32>} : memref<8192xf32, #tpu.memory_space<vmem>>, vector<16xf32>,
      tpu.vector_store %arg8[%swap3A_104], %add3A_99 {strides = array<i32>} : memref<8192xf32, #tpu.memory_space<vmem>>, vector<16xf32>,
      %mul3A_106 = arith.constant 0 : i32
      %mul3A_107 = vector.broadcast %mul3A_106 : i32 to vector<16xi32>
      %mul3A_108 = arith.muli %iota3A, %mul3A_107 : vector<16xi32>
      %add3A_109 = arith.constant 2 : i32
      %add3A_110 = vector.broadcast %add3A_109 : i32 to vector<16xi32>
      %add3A_111 = arith.addi %mul3A_108, %add3A_110 : vector<16xi32>
      %gather3A_112 = tpu.vector_load_idx %arg7[%add3A_111, %add3A_78] : memref<7x128xf32, #tpu.memory_space<vmem>>[vector<16xi32>, vector<16xi32>], vector<16xf32>,
      %add3A_113 = arith.addf %gather3A, %gather3A_112 : vector<16xf32>
      %mul3A_114 = arith.constant 16 : i32
      %mul3A_115 = arith.muli %scan3A_67, %mul3A_114 : i32
      %add3A_116 = arith.constant 576 : i32
      %add3A_117 = arith.addi %add3A_116, %mul3A_115 : i32
      %swap3A_118 = arith.index_cast %add3A_117 : i32 to index
      %swap3A_119 = tpu.vector_load %arg8[%swap3A_118] {strides = array<i32>} : memref<8192xf32, #tpu.memory_space<vmem>>, vector<16xf32>,
      tpu.vector_store %arg8[%swap3A_118], %add3A_113 {strides = array<i32>} : memref<8192xf32, #tpu.memory_space<vmem>>, vector<16xf32>,
      %mul3A_120 = arith.constant 0 : i32
      %mul3A_121 = vector.broadcast %mul3A_120 : i32 to vector<16xi32>
      %mul3A_122 = arith.muli %iota3A, %mul3A_121 : vector<16xi32>
      %add3A_123 = arith.constant 3 : i32
      %add3A_124 = vector.broadcast %add3A_123 : i32 to vector<16xi32>
      %add3A_125 = arith.addi %mul3A_122, %add3A_124 : vector<16xi32>
      %gather3A_126 = tpu.vector_load_idx %arg7[%add3A_125, %add3A_78] : memref<7x128xf32, #tpu.memory_space<vmem>>[vector<16xi32>, vector<16xi32>], vector<16xf32>,
      %add3A_127 = arith.addf %gather3A, %gather3A_126 : vector<16xf32>
      %mul3A_128 = arith.constant 16 : i32
      %mul3A_129 = arith.muli %scan3A_67, %mul3A_128 : i32
      %add3A_130 = arith.constant 864 : i32
      %add3A_131 = arith.addi %add3A_130, %mul3A_129 : i32
      %swap3A_132 = arith.index_cast %add3A_131 : i32 to index
      %swap3A_133 = tpu.vector_load %arg8[%swap3A_132] {strides = array<i32>} : memref<8192xf32, #tpu.memory_space<vmem>>, vector<16xf32>,
      tpu.vector_store %arg8[%swap3A_132], %add3A_127 {strides = array<i32>} : memref<8192xf32, #tpu.memory_space<vmem>>, vector<16xf32>,
      %mul3A_134 = arith.constant 0 : i32
      %mul3A_135 = vector.broadcast %mul3A_134 : i32 to vector<16xi32>
      %mul3A_136 = arith.muli %iota3A, %mul3A_135 : vector<16xi32>
      %add3A_137 = arith.constant 4 : i32
      %add3A_138 = vector.broadcast %add3A_137 : i32 to vector<16xi32>
      %add3A_139 = arith.addi %mul3A_136, %add3A_138 : vector<16xi32>
      %gather3A_140 = tpu.vector_load_idx %arg7[%add3A_139, %add3A_78] : memref<7x128xf32, #tpu.memory_space<vmem>>[vector<16xi32>, vector<16xi32>], vector<16xf32>,
      %add3A_141 = arith.addf %gather3A, %gather3A_140 : vector<16xf32>
      %mul3A_142 = arith.constant 16 : i32
      %mul3A_143 = arith.muli %scan3A_67, %mul3A_142 : i32
      %add3A_144 = arith.constant 1152 : i32
      %add3A_145 = arith.addi %add3A_144, %mul3A_143 : i32
      %swap3A_146 = arith.index_cast %add3A_145 : i32 to index
      %swap3A_147 = tpu.vector_load %arg8[%swap3A_146] {strides = array<i32>} : memref<8192xf32, #tpu.memory_space<vmem>>, vector<16xf32>,
      tpu.vector_store %arg8[%swap3A_146], %add3A_141 {strides = array<i32>} : memref<8192xf32, #tpu.memory_space<vmem>>, vector<16xf32>,
      %mul3A_148 = arith.constant 0 : i32
      %mul3A_149 = vector.broadcast %mul3A_148 : i32 to vector<16xi32>
      %mul3A_150 = arith.muli %iota3A, %mul3A_149 : vector<16xi32>
      %add3A_151 = arith.constant 5 : i32
      %add3A_152 = vector.broadcast %add3A_151 : i32 to vector<16xi32>
      %add3A_153 = arith.addi %mul3A_150, %add3A_152 : vector<16xi32>
      %gather3A_154 = tpu.vector_load_idx %arg7[%add3A_153, %add3A_78] : memref<7x128xf32, #tpu.memory_space<vmem>>[vector<16xi32>, vector<16xi32>], vector<16xf32>,
      %add3A_155 = arith.addf %gather3A, %gather3A_154 : vector<16xf32>
      %mul3A_156 = arith.constant 16 : i32
      %mul3A_157 = arith.muli %scan3A_67, %mul3A_156 : i32
      %add3A_158 = arith.constant 1440 : i32
      %add3A_159 = arith.addi %add3A_158, %mul3A_157 : i32
      %swap3A_160 = arith.index_cast %add3A_159 : i32 to index
      %swap3A_161 = tpu.vector_load %arg8[%swap3A_160] {strides = array<i32>} : memref<8192xf32, #tpu.memory_space<vmem>>, vector<16xf32>,
      tpu.vector_store %arg8[%swap3A_160], %add3A_155 {strides = array<i32>} : memref<8192xf32, #tpu.memory_space<vmem>>, vector<16xf32>,
      %mul3A_162 = arith.constant 0 : i32
      %mul3A_163 = vector.broadcast %mul3A_162 : i32 to vector<16xi32>
      %mul3A_164 = arith.muli %iota3A, %mul3A_163 : vector<16xi32>
      %add3A_165 = arith.constant 6 : i32
      %add3A_166 = vector.broadcast %add3A_165 : i32 to vector<16xi32>
      %add3A_167 = arith.addi %mul3A_164, %add3A_166 : vector<16xi32>
      %gather3A_168 = tpu.vector_load_idx %arg7[%add3A_167, %add3A_78] : memref<7x128xf32, #tpu.memory_space<vmem>>[vector<16xi32>, vector<16xi32>], vector<16xf32>,
      %add3A_169 = arith.addf %gather3A, %gather3A_168 : vector<16xf32>
      %mul3A_170 = arith.constant 16 : i32
      %mul3A_171 = arith.muli %scan3A_67, %mul3A_170 : i32
      %add3A_172 = arith.constant 1728 : i32
      %add3A_173 = arith.addi %add3A_172, %mul3A_171 : i32
      %swap3A_174 = arith.index_cast %add3A_173 : i32 to index
      %swap3A_175 = tpu.vector_load %arg8[%swap3A_174] {strides = array<i32>} : memref<8192xf32, #tpu.memory_space<vmem>>, vector<16xf32>,
      tpu.vector_store %arg8[%swap3A_174], %add3A_169 {strides = array<i32>} : memref<8192xf32, #tpu.memory_space<vmem>>, vector<16xf32>,
      %mul3A_176 = arith.constant 0 : i32
      %mul3A_177 = vector.broadcast %mul3A_176 : i32 to vector<16xi32>
      %mul3A_178 = arith.muli %iota3A, %mul3A_177 : vector<16xi32>
      %add3A_179 = arith.constant 1 : i32
      %add3A_180 = arith.addi %mul3A_2, %add3A_179 : i32
      %add3A_181 = vector.broadcast %add3A_180 : i32 to vector<16xi32>
      %add3A_182 = arith.addi %mul3A_178, %add3A_181 : vector<16xi32>
      %gather3A_183 = tpu.vector_load_idx %arg6[%add3A_71, %add3A_182] : memref<288x128xf32, #tpu.memory_space<vmem>>[vector<16xi32>, vector<16xi32>], vector<16xf32>,
      %mul3A_184 = arith.constant 0 : i32
      %mul3A_185 = vector.broadcast %mul3A_184 : i32 to vector<16xi32>
      %mul3A_186 = arith.muli %iota3A, %mul3A_185 : vector<16xi32>
      %add3A_187 = arith.constant 0 : i32
      %add3A_188 = vector.broadcast %add3A_187 : i32 to vector<16xi32>
      %add3A_189 = arith.addi %mul3A_186, %add3A_188 : vector<16xi32>
      %gather3A_190 = tpu.vector_load_idx %arg7[%add3A_189, %add3A_182] : memref<7x128xf32, #tpu.memory_space<vmem>>[vector<16xi32>, vector<16xi32>], vector<16xf32>,
      %add3A_191 = arith.addf %gather3A_183, %gather3A_190 : vector<16xf32>
      %mul3A_192 = arith.constant 16 : i32
      %mul3A_193 = arith.muli %scan3A_67, %mul3A_192 : i32
      %add3A_194 = arith.constant 2048 : i32
      %add3A_195 = arith.addi %add3A_194, %mul3A_193 : i32
      %swap3A_196 = arith.index_cast %add3A_195 : i32 to index
      %swap3A_197 = tpu.vector_load %arg8[%swap3A_196] {strides = array<i32>} : memref<8192xf32, #tpu.memory_space<vmem>>, vector<16xf32>,
      tpu.vector_store %arg8[%swap3A_196], %add3A_191 {strides = array<i32>} : memref<8192xf32, #tpu.memory_space<vmem>>, vector<16xf32>,
      %mul3A_198 = arith.constant 0 : i32
      %mul3A_199 = vector.broadcast %mul3A_198 : i32 to vector<16xi32>
      %mul3A_200 = arith.muli %iota3A, %mul3A_199 : vector<16xi32>
      %add3A_201 = arith.constant 1 : i32
      %add3A_202 = vector.broadcast %add3A_201 : i32 to vector<16xi32>
      %add3A_203 = arith.addi %mul3A_200, %add3A_202 : vector<16xi32>
      %gather3A_204 = tpu.vector_load_idx %arg7[%add3A_203, %add3A_182] : memref<7x128xf32, #tpu.memory_space<vmem>>[vector<16xi32>, vector<16xi32>], vector<16xf32>,
      %add3A_205 = arith.addf %gather3A_183, %gather3A_204 : vector<16xf32>
      %mul3A_206 = arith.constant 16 : i32
      %mul3A_207 = arith.muli %scan3A_67, %mul3A_206 : i32
      %add3A_208 = arith.constant 2336 : i32
      %add3A_209 = arith.addi %add3A_208, %mul3A_207 : i32
      %swap3A_210 = arith.index_cast %add3A_209 : i32 to index
      %swap3A_211 = tpu.vector_load %arg8[%swap3A_210] {strides = array<i32>} : memref<8192xf32, #tpu.memory_space<vmem>>, vector<16xf32>,
      tpu.vector_store %arg8[%swap3A_210], %add3A_205 {strides = array<i32>} : memref<8192xf32, #tpu.memory_space<vmem>>, vector<16xf32>,
      %mul3A_212 = arith.constant 0 : i32
      %mul3A_213 = vector.broadcast %mul3A_212 : i32 to vector<16xi32>
      %mul3A_214 = arith.muli %iota3A, %mul3A_213 : vector<16xi32>
      %add3A_215 = arith.constant 2 : i32
      %add3A_216 = vector.broadcast %add3A_215 : i32 to vector<16xi32>
      %add3A_217 = arith.addi %mul3A_214, %add3A_216 : vector<16xi32>
      %gather3A_218 = tpu.vector_load_idx %arg7[%add3A_217, %add3A_182] : memref<7x128xf32, #tpu.memory_space<vmem>>[vector<16xi32>, vector<16xi32>], vector<16xf32>,
      %add3A_219 = arith.addf %gather3A_183, %gather3A_218 : vector<16xf32>
      %mul3A_220 = arith.constant 16 : i32
      %mul3A_221 = arith.muli %scan3A_67, %mul3A_220 : i32
      %add3A_222 = arith.constant 2624 : i32
      %add3A_223 = arith.addi %add3A_222, %mul3A_221 : i32
      %swap3A_224 = arith.index_cast %add3A_223 : i32 to index
      %swap3A_225 = tpu.vector_load %arg8[%swap3A_224] {strides = array<i32>} : memref<8192xf32, #tpu.memory_space<vmem>>, vector<16xf32>,
      tpu.vector_store %arg8[%swap3A_224], %add3A_219 {strides = array<i32>} : memref<8192xf32, #tpu.memory_space<vmem>>, vector<16xf32>,
      %mul3A_226 = arith.constant 0 : i32
      %mul3A_227 = vector.broadcast %mul3A_226 : i32 to vector<16xi32>
      %mul3A_228 = arith.muli %iota3A, %mul3A_227 : vector<16xi32>
      %add3A_229 = arith.constant 3 : i32
      %add3A_230 = vector.broadcast %add3A_229 : i32 to vector<16xi32>
      %add3A_231 = arith.addi %mul3A_228, %add3A_230 : vector<16xi32>
      %gather3A_232 = tpu.vector_load_idx %arg7[%add3A_231, %add3A_182] : memref<7x128xf32, #tpu.memory_space<vmem>>[vector<16xi32>, vector<16xi32>], vector<16xf32>,
      %add3A_233 = arith.addf %gather3A_183, %gather3A_232 : vector<16xf32>
      %mul3A_234 = arith.constant 16 : i32
      %mul3A_235 = arith.muli %scan3A_67, %mul3A_234 : i32
      %add3A_236 = arith.constant 2912 : i32
      %add3A_237 = arith.addi %add3A_236, %mul3A_235 : i32
      %swap3A_238 = arith.index_cast %add3A_237 : i32 to index
      %swap3A_239 = tpu.vector_load %arg8[%swap3A_238] {strides = array<i32>} : memref<8192xf32, #tpu.memory_space<vmem>>, vector<16xf32>,
      tpu.vector_store %arg8[%swap3A_238], %add3A_233 {strides = array<i32>} : memref<8192xf32, #tpu.memory_space<vmem>>, vector<16xf32>,
      %mul3A_240 = arith.constant 0 : i32
      %mul3A_241 = vector.broadcast %mul3A_240 : i32 to vector<16xi32>
      %mul3A_242 = arith.muli %iota3A, %mul3A_241 : vector<16xi32>
      %add3A_243 = arith.constant 4 : i32
      %add3A_244 = vector.broadcast %add3A_243 : i32 to vector<16xi32>
      %add3A_245 = arith.addi %mul3A_242, %add3A_244 : vector<16xi32>
      %gather3A_246 = tpu.vector_load_idx %arg7[%add3A_245, %add3A_182] : memref<7x128xf32, #tpu.memory_space<vmem>>[vector<16xi32>, vector<16xi32>], vector<16xf32>,
      %add3A_247 = arith.addf %gather3A_183, %gather3A_246 : vector<16xf32>
      %mul3A_248 = arith.constant 16 : i32
      %mul3A_249 = arith.muli %scan3A_67, %mul3A_248 : i32
      %add3A_250 = arith.constant 3200 : i32
      %add3A_251 = arith.addi %add3A_250, %mul3A_249 : i32
      %swap3A_252 = arith.index_cast %add3A_251 : i32 to index
      %swap3A_253 = tpu.vector_load %arg8[%swap3A_252] {strides = array<i32>} : memref<8192xf32, #tpu.memory_space<vmem>>, vector<16xf32>,
      tpu.vector_store %arg8[%swap3A_252], %add3A_247 {strides = array<i32>} : memref<8192xf32, #tpu.memory_space<vmem>>, vector<16xf32>,
      %mul3A_254 = arith.constant 0 : i32
      %mul3A_255 = vector.broadcast %mul3A_254 : i32 to vector<16xi32>
      %mul3A_256 = arith.muli %iota3A, %mul3A_255 : vector<16xi32>
      %add3A_257 = arith.constant 5 : i32
      %add3A_258 = vector.broadcast %add3A_257 : i32 to vector<16xi32>
      %add3A_259 = arith.addi %mul3A_256, %add3A_258 : vector<16xi32>
      %gather3A_260 = tpu.vector_load_idx %arg7[%add3A_259, %add3A_182] : memref<7x128xf32, #tpu.memory_space<vmem>>[vector<16xi32>, vector<16xi32>], vector<16xf32>,
      %add3A_261 = arith.addf %gather3A_183, %gather3A_260 : vector<16xf32>
      %mul3A_262 = arith.constant 16 : i32
      %mul3A_263 = arith.muli %scan3A_67, %mul3A_262 : i32
      %add3A_264 = arith.constant 3488 : i32
      %add3A_265 = arith.addi %add3A_264, %mul3A_263 : i32
      %swap3A_266 = arith.index_cast %add3A_265 : i32 to index
      %swap3A_267 = tpu.vector_load %arg8[%swap3A_266] {strides = array<i32>} : memref<8192xf32, #tpu.memory_space<vmem>>, vector<16xf32>,
      tpu.vector_store %arg8[%swap3A_266], %add3A_261 {strides = array<i32>} : memref<8192xf32, #tpu.memory_space<vmem>>, vector<16xf32>,
      %mul3A_268 = arith.constant 0 : i32
      %mul3A_269 = vector.broadcast %mul3A_268 : i32 to vector<16xi32>
      %mul3A_270 = arith.muli %iota3A, %mul3A_269 : vector<16xi32>
      %add3A_271 = arith.constant 6 : i32
      %add3A_272 = vector.broadcast %add3A_271 : i32 to vector<16xi32>
      %add3A_273 = arith.addi %mul3A_270, %add3A_272 : vector<16xi32>
      %gather3A_274 = tpu.vector_load_idx %arg7[%add3A_273, %add3A_182] : memref<7x128xf32, #tpu.memory_space<vmem>>[vector<16xi32>, vector<16xi32>], vector<16xf32>,
      %add3A_275 = arith.addf %gather3A_183, %gather3A_274 : vector<16xf32>
      %mul3A_276 = arith.constant 16 : i32
      %mul3A_277 = arith.muli %scan3A_67, %mul3A_276 : i32
      %add3A_278 = arith.constant 3776 : i32
      %add3A_279 = arith.addi %add3A_278, %mul3A_277 : i32
      %swap3A_280 = arith.index_cast %add3A_279 : i32 to index
      %swap3A_281 = tpu.vector_load %arg8[%swap3A_280] {strides = array<i32>} : memref<8192xf32, #tpu.memory_space<vmem>>, vector<16xf32>,
      tpu.vector_store %arg8[%swap3A_280], %add3A_275 {strides = array<i32>} : memref<8192xf32, #tpu.memory_space<vmem>>, vector<16xf32>,
      %mul3A_282 = arith.constant 0 : i32
      %mul3A_283 = vector.broadcast %mul3A_282 : i32 to vector<16xi32>
      %mul3A_284 = arith.muli %iota3A, %mul3A_283 : vector<16xi32>
      %add3A_285 = arith.constant 2 : i32
      %add3A_286 = arith.addi %mul3A_2, %add3A_285 : i32
      %add3A_287 = vector.broadcast %add3A_286 : i32 to vector<16xi32>
      %add3A_288 = arith.addi %mul3A_284, %add3A_287 : vector<16xi32>
      %gather3A_289 = tpu.vector_load_idx %arg6[%add3A_71, %add3A_288] : memref<288x128xf32, #tpu.memory_space<vmem>>[vector<16xi32>, vector<16xi32>], vector<16xf32>,
      %mul3A_290 = arith.constant 0 : i32
      %mul3A_291 = vector.broadcast %mul3A_290 : i32 to vector<16xi32>
      %mul3A_292 = arith.muli %iota3A, %mul3A_291 : vector<16xi32>
      %add3A_293 = arith.constant 0 : i32
      %add3A_294 = vector.broadcast %add3A_293 : i32 to vector<16xi32>
      %add3A_295 = arith.addi %mul3A_292, %add3A_294 : vector<16xi32>
      %gather3A_296 = tpu.vector_load_idx %arg7[%add3A_295, %add3A_288] : memref<7x128xf32, #tpu.memory_space<vmem>>[vector<16xi32>, vector<16xi32>], vector<16xf32>,
      %add3A_297 = arith.addf %gather3A_289, %gather3A_296 : vector<16xf32>
      %mul3A_298 = arith.constant 16 : i32
      %mul3A_299 = arith.muli %scan3A_67, %mul3A_298 : i32
      %add3A_300 = arith.constant 4096 : i32
      %add3A_301 = arith.addi %add3A_300, %mul3A_299 : i32
      %swap3A_302 = arith.index_cast %add3A_301 : i32 to index
      %swap3A_303 = tpu.vector_load %arg8[%swap3A_302] {strides = array<i32>} : memref<8192xf32, #tpu.memory_space<vmem>>, vector<16xf32>,
      tpu.vector_store %arg8[%swap3A_302], %add3A_297 {strides = array<i32>} : memref<8192xf32, #tpu.memory_space<vmem>>, vector<16xf32>,
      %mul3A_304 = arith.constant 0 : i32
      %mul3A_305 = vector.broadcast %mul3A_304 : i32 to vector<16xi32>
      %mul3A_306 = arith.muli %iota3A, %mul3A_305 : vector<16xi32>
      %add3A_307 = arith.constant 1 : i32
      %add3A_308 = vector.broadcast %add3A_307 : i32 to vector<16xi32>
      %add3A_309 = arith.addi %mul3A_306, %add3A_308 : vector<16xi32>
      %gather3A_310 = tpu.vector_load_idx %arg7[%add3A_309, %add3A_288] : memref<7x128xf32, #tpu.memory_space<vmem>>[vector<16xi32>, vector<16xi32>], vector<16xf32>,
      %add3A_311 = arith.addf %gather3A_289, %gather3A_310 : vector<16xf32>
      %mul3A_312 = arith.constant 16 : i32
      %mul3A_313 = arith.muli %scan3A_67, %mul3A_312 : i32
      %add3A_314 = arith.constant 4384 : i32
      %add3A_315 = arith.addi %add3A_314, %mul3A_313 : i32
      %swap3A_316 = arith.index_cast %add3A_315 : i32 to index
      %swap3A_317 = tpu.vector_load %arg8[%swap3A_316] {strides = array<i32>} : memref<8192xf32, #tpu.memory_space<vmem>>, vector<16xf32>,
      tpu.vector_store %arg8[%swap3A_316], %add3A_311 {strides = array<i32>} : memref<8192xf32, #tpu.memory_space<vmem>>, vector<16xf32>,
      %mul3A_318 = arith.constant 0 : i32
      %mul3A_319 = vector.broadcast %mul3A_318 : i32 to vector<16xi32>
      %mul3A_320 = arith.muli %iota3A, %mul3A_319 : vector<16xi32>
      %add3A_321 = arith.constant 2 : i32
      %add3A_322 = vector.broadcast %add3A_321 : i32 to vector<16xi32>
      %add3A_323 = arith.addi %mul3A_320, %add3A_322 : vector<16xi32>
      %gather3A_324 = tpu.vector_load_idx %arg7[%add3A_323, %add3A_288] : memref<7x128xf32, #tpu.memory_space<vmem>>[vector<16xi32>, vector<16xi32>], vector<16xf32>,
      %add3A_325 = arith.addf %gather3A_289, %gather3A_324 : vector<16xf32>
      %mul3A_326 = arith.constant 16 : i32
      %mul3A_327 = arith.muli %scan3A_67, %mul3A_326 : i32
      %add3A_328 = arith.constant 4672 : i32
      %add3A_329 = arith.addi %add3A_328, %mul3A_327 : i32
      %swap3A_330 = arith.index_cast %add3A_329 : i32 to index
      %swap3A_331 = tpu.vector_load %arg8[%swap3A_330] {strides = array<i32>} : memref<8192xf32, #tpu.memory_space<vmem>>, vector<16xf32>,
      tpu.vector_store %arg8[%swap3A_330], %add3A_325 {strides = array<i32>} : memref<8192xf32, #tpu.memory_space<vmem>>, vector<16xf32>,
      %mul3A_332 = arith.constant 0 : i32
      %mul3A_333 = vector.broadcast %mul3A_332 : i32 to vector<16xi32>
      %mul3A_334 = arith.muli %iota3A, %mul3A_333 : vector<16xi32>
      %add3A_335 = arith.constant 3 : i32
      %add3A_336 = vector.broadcast %add3A_335 : i32 to vector<16xi32>
      %add3A_337 = arith.addi %mul3A_334, %add3A_336 : vector<16xi32>
      %gather3A_338 = tpu.vector_load_idx %arg7[%add3A_337, %add3A_288] : memref<7x128xf32, #tpu.memory_space<vmem>>[vector<16xi32>, vector<16xi32>], vector<16xf32>,
      %add3A_339 = arith.addf %gather3A_289, %gather3A_338 : vector<16xf32>
      %mul3A_340 = arith.constant 16 : i32
      %mul3A_341 = arith.muli %scan3A_67, %mul3A_340 : i32
      %add3A_342 = arith.constant 4960 : i32
      %add3A_343 = arith.addi %add3A_342, %mul3A_341 : i32
      %swap3A_344 = arith.index_cast %add3A_343 : i32 to index
      %swap3A_345 = tpu.vector_load %arg8[%swap3A_344] {strides = array<i32>} : memref<8192xf32, #tpu.memory_space<vmem>>, vector<16xf32>,
      tpu.vector_store %arg8[%swap3A_344], %add3A_339 {strides = array<i32>} : memref<8192xf32, #tpu.memory_space<vmem>>, vector<16xf32>,
      %mul3A_346 = arith.constant 0 : i32
      %mul3A_347 = vector.broadcast %mul3A_346 : i32 to vector<16xi32>
      %mul3A_348 = arith.muli %iota3A, %mul3A_347 : vector<16xi32>
      %add3A_349 = arith.constant 4 : i32
      %add3A_350 = vector.broadcast %add3A_349 : i32 to vector<16xi32>
      %add3A_351 = arith.addi %mul3A_348, %add3A_350 : vector<16xi32>
      %gather3A_352 = tpu.vector_load_idx %arg7[%add3A_351, %add3A_288] : memref<7x128xf32, #tpu.memory_space<vmem>>[vector<16xi32>, vector<16xi32>], vector<16xf32>,
      %add3A_353 = arith.addf %gather3A_289, %gather3A_352 : vector<16xf32>
      %mul3A_354 = arith.constant 16 : i32
      %mul3A_355 = arith.muli %scan3A_67, %mul3A_354 : i32
      %add3A_356 = arith.constant 5248 : i32
      %add3A_357 = arith.addi %add3A_356, %mul3A_355 : i32
      %swap3A_358 = arith.index_cast %add3A_357 : i32 to index
      %swap3A_359 = tpu.vector_load %arg8[%swap3A_358] {strides = array<i32>} : memref<8192xf32, #tpu.memory_space<vmem>>, vector<16xf32>,
      tpu.vector_store %arg8[%swap3A_358], %add3A_353 {strides = array<i32>} : memref<8192xf32, #tpu.memory_space<vmem>>, vector<16xf32>,
      %mul3A_360 = arith.constant 0 : i32
      %mul3A_361 = vector.broadcast %mul3A_360 : i32 to vector<16xi32>
      %mul3A_362 = arith.muli %iota3A, %mul3A_361 : vector<16xi32>
      %add3A_363 = arith.constant 5 : i32
      %add3A_364 = vector.broadcast %add3A_363 : i32 to vector<16xi32>
      %add3A_365 = arith.addi %mul3A_362, %add3A_364 : vector<16xi32>
      %gather3A_366 = tpu.vector_load_idx %arg7[%add3A_365, %add3A_288] : memref<7x128xf32, #tpu.memory_space<vmem>>[vector<16xi32>, vector<16xi32>], vector<16xf32>,
      %add3A_367 = arith.addf %gather3A_289, %gather3A_366 : vector<16xf32>
      %mul3A_368 = arith.constant 16 : i32
      %mul3A_369 = arith.muli %scan3A_67, %mul3A_368 : i32
      %add3A_370 = arith.constant 5536 : i32
      %add3A_371 = arith.addi %add3A_370, %mul3A_369 : i32
      %swap3A_372 = arith.index_cast %add3A_371 : i32 to index
      %swap3A_373 = tpu.vector_load %arg8[%swap3A_372] {strides = array<i32>} : memref<8192xf32, #tpu.memory_space<vmem>>, vector<16xf32>,
      tpu.vector_store %arg8[%swap3A_372], %add3A_367 {strides = array<i32>} : memref<8192xf32, #tpu.memory_space<vmem>>, vector<16xf32>,
      %mul3A_374 = arith.constant 0 : i32
      %mul3A_375 = vector.broadcast %mul3A_374 : i32 to vector<16xi32>
      %mul3A_376 = arith.muli %iota3A, %mul3A_375 : vector<16xi32>
      %add3A_377 = arith.constant 6 : i32
      %add3A_378 = vector.broadcast %add3A_377 : i32 to vector<16xi32>
      %add3A_379 = arith.addi %mul3A_376, %add3A_378 : vector<16xi32>
      %gather3A_380 = tpu.vector_load_idx %arg7[%add3A_379, %add3A_288] : memref<7x128xf32, #tpu.memory_space<vmem>>[vector<16xi32>, vector<16xi32>], vector<16xf32>,
      %add3A_381 = arith.addf %gather3A_289, %gather3A_380 : vector<16xf32>
      %mul3A_382 = arith.constant 16 : i32
      %mul3A_383 = arith.muli %scan3A_67, %mul3A_382 : i32
      %add3A_384 = arith.constant 5824 : i32
      %add3A_385 = arith.addi %add3A_384, %mul3A_383 : i32
      %swap3A_386 = arith.index_cast %add3A_385 : i32 to index
      %swap3A_387 = tpu.vector_load %arg8[%swap3A_386] {strides = array<i32>} : memref<8192xf32, #tpu.memory_space<vmem>>, vector<16xf32>,
      tpu.vector_store %arg8[%swap3A_386], %add3A_381 {strides = array<i32>} : memref<8192xf32, #tpu.memory_space<vmem>>, vector<16xf32>,
      %mul3A_388 = arith.constant 0 : i32
      %mul3A_389 = vector.broadcast %mul3A_388 : i32 to vector<16xi32>
      %mul3A_390 = arith.muli %iota3A, %mul3A_389 : vector<16xi32>
      %add3A_391 = arith.constant 3 : i32
      %add3A_392 = arith.addi %mul3A_2, %add3A_391 : i32
      %add3A_393 = vector.broadcast %add3A_392 : i32 to vector<16xi32>
      %add3A_394 = arith.addi %mul3A_390, %add3A_393 : vector<16xi32>
      %gather3A_395 = tpu.vector_load_idx %arg6[%add3A_71, %add3A_394] : memref<288x128xf32, #tpu.memory_space<vmem>>[vector<16xi32>, vector<16xi32>], vector<16xf32>,
      %mul3A_396 = arith.constant 0 : i32
      %mul3A_397 = vector.broadcast %mul3A_396 : i32 to vector<16xi32>
      %mul3A_398 = arith.muli %iota3A, %mul3A_397 : vector<16xi32>
      %add3A_399 = arith.constant 0 : i32
      %add3A_400 = vector.broadcast %add3A_399 : i32 to vector<16xi32>
      %add3A_401 = arith.addi %mul3A_398, %add3A_400 : vector<16xi32>
      %gather3A_402 = tpu.vector_load_idx %arg7[%add3A_401, %add3A_394] : memref<7x128xf32, #tpu.memory_space<vmem>>[vector<16xi32>, vector<16xi32>], vector<16xf32>,
      %add3A_403 = arith.addf %gather3A_395, %gather3A_402 : vector<16xf32>
      %mul3A_404 = arith.constant 16 : i32
      %mul3A_405 = arith.muli %scan3A_67, %mul3A_404 : i32
      %add3A_406 = arith.constant 6144 : i32
      %add3A_407 = arith.addi %add3A_406, %mul3A_405 : i32
      %swap3A_408 = arith.index_cast %add3A_407 : i32 to index
      %swap3A_409 = tpu.vector_load %arg8[%swap3A_408] {strides = array<i32>} : memref<8192xf32, #tpu.memory_space<vmem>>, vector<16xf32>,
      tpu.vector_store %arg8[%swap3A_408], %add3A_403 {strides = array<i32>} : memref<8192xf32, #tpu.memory_space<vmem>>, vector<16xf32>,
      %mul3A_410 = arith.constant 0 : i32
      %mul3A_411 = vector.broadcast %mul3A_410 : i32 to vector<16xi32>
      %mul3A_412 = arith.muli %iota3A, %mul3A_411 : vector<16xi32>
      %add3A_413 = arith.constant 1 : i32
      %add3A_414 = vector.broadcast %add3A_413 : i32 to vector<16xi32>
      %add3A_415 = arith.addi %mul3A_412, %add3A_414 : vector<16xi32>
      %gather3A_416 = tpu.vector_load_idx %arg7[%add3A_415, %add3A_394] : memref<7x128xf32, #tpu.memory_space<vmem>>[vector<16xi32>, vector<16xi32>], vector<16xf32>,
      %add3A_417 = arith.addf %gather3A_395, %gather3A_416 : vector<16xf32>
      %mul3A_418 = arith.constant 16 : i32
      %mul3A_419 = arith.muli %scan3A_67, %mul3A_418 : i32
      %add3A_420 = arith.constant 6432 : i32
      %add3A_421 = arith.addi %add3A_420, %mul3A_419 : i32
      %swap3A_422 = arith.index_cast %add3A_421 : i32 to index
      %swap3A_423 = tpu.vector_load %arg8[%swap3A_422] {strides = array<i32>} : memref<8192xf32, #tpu.memory_space<vmem>>, vector<16xf32>,
      tpu.vector_store %arg8[%swap3A_422], %add3A_417 {strides = array<i32>} : memref<8192xf32, #tpu.memory_space<vmem>>, vector<16xf32>,
      %mul3A_424 = arith.constant 0 : i32
      %mul3A_425 = vector.broadcast %mul3A_424 : i32 to vector<16xi32>
      %mul3A_426 = arith.muli %iota3A, %mul3A_425 : vector<16xi32>
      %add3A_427 = arith.constant 2 : i32
      %add3A_428 = vector.broadcast %add3A_427 : i32 to vector<16xi32>
      %add3A_429 = arith.addi %mul3A_426, %add3A_428 : vector<16xi32>
      %gather3A_430 = tpu.vector_load_idx %arg7[%add3A_429, %add3A_394] : memref<7x128xf32, #tpu.memory_space<vmem>>[vector<16xi32>, vector<16xi32>], vector<16xf32>,
      %add3A_431 = arith.addf %gather3A_395, %gather3A_430 : vector<16xf32>
      %mul3A_432 = arith.constant 16 : i32
      %mul3A_433 = arith.muli %scan3A_67, %mul3A_432 : i32
      %add3A_434 = arith.constant 6720 : i32
      %add3A_435 = arith.addi %add3A_434, %mul3A_433 : i32
      %swap3A_436 = arith.index_cast %add3A_435 : i32 to index
      %swap3A_437 = tpu.vector_load %arg8[%swap3A_436] {strides = array<i32>} : memref<8192xf32, #tpu.memory_space<vmem>>, vector<16xf32>,
      tpu.vector_store %arg8[%swap3A_436], %add3A_431 {strides = array<i32>} : memref<8192xf32, #tpu.memory_space<vmem>>, vector<16xf32>,
      %mul3A_438 = arith.constant 0 : i32
      %mul3A_439 = vector.broadcast %mul3A_438 : i32 to vector<16xi32>
      %mul3A_440 = arith.muli %iota3A, %mul3A_439 : vector<16xi32>
      %add3A_441 = arith.constant 3 : i32
      %add3A_442 = vector.broadcast %add3A_441 : i32 to vector<16xi32>
      %add3A_443 = arith.addi %mul3A_440, %add3A_442 : vector<16xi32>
      %gather3A_444 = tpu.vector_load_idx %arg7[%add3A_443, %add3A_394] : memref<7x128xf32, #tpu.memory_space<vmem>>[vector<16xi32>, vector<16xi32>], vector<16xf32>,
      %add3A_445 = arith.addf %gather3A_395, %gather3A_444 : vector<16xf32>
      %mul3A_446 = arith.constant 16 : i32
      %mul3A_447 = arith.muli %scan3A_67, %mul3A_446 : i32
      %add3A_448 = arith.constant 7008 : i32
      %add3A_449 = arith.addi %add3A_448, %mul3A_447 : i32
      %swap3A_450 = arith.index_cast %add3A_449 : i32 to index
      %swap3A_451 = tpu.vector_load %arg8[%swap3A_450] {strides = array<i32>} : memref<8192xf32, #tpu.memory_space<vmem>>, vector<16xf32>,
      tpu.vector_store %arg8[%swap3A_450], %add3A_445 {strides = array<i32>} : memref<8192xf32, #tpu.memory_space<vmem>>, vector<16xf32>,
      %mul3A_452 = arith.constant 0 : i32
      %mul3A_453 = vector.broadcast %mul3A_452 : i32 to vector<16xi32>
      %mul3A_454 = arith.muli %iota3A, %mul3A_453 : vector<16xi32>
      %add3A_455 = arith.constant 4 : i32
      %add3A_456 = vector.broadcast %add3A_455 : i32 to vector<16xi32>
      %add3A_457 = arith.addi %mul3A_454, %add3A_456 : vector<16xi32>
      %gather3A_458 = tpu.vector_load_idx %arg7[%add3A_457, %add3A_394] : memref<7x128xf32, #tpu.memory_space<vmem>>[vector<16xi32>, vector<16xi32>], vector<16xf32>,
      %add3A_459 = arith.addf %gather3A_395, %gather3A_458 : vector<16xf32>
      %mul3A_460 = arith.constant 16 : i32
      %mul3A_461 = arith.muli %scan3A_67, %mul3A_460 : i32
      %add3A_462 = arith.constant 7296 : i32
      %add3A_463 = arith.addi %add3A_462, %mul3A_461 : i32
      %swap3A_464 = arith.index_cast %add3A_463 : i32 to index
      %swap3A_465 = tpu.vector_load %arg8[%swap3A_464] {strides = array<i32>} : memref<8192xf32, #tpu.memory_space<vmem>>, vector<16xf32>,
      tpu.vector_store %arg8[%swap3A_464], %add3A_459 {strides = array<i32>} : memref<8192xf32, #tpu.memory_space<vmem>>, vector<16xf32>,
      %mul3A_466 = arith.constant 0 : i32
      %mul3A_467 = vector.broadcast %mul3A_466 : i32 to vector<16xi32>
      %mul3A_468 = arith.muli %iota3A, %mul3A_467 : vector<16xi32>
      %add3A_469 = arith.constant 5 : i32
      %add3A_470 = vector.broadcast %add3A_469 : i32 to vector<16xi32>
      %add3A_471 = arith.addi %mul3A_468, %add3A_470 : vector<16xi32>
      %gather3A_472 = tpu.vector_load_idx %arg7[%add3A_471, %add3A_394] : memref<7x128xf32, #tpu.memory_space<vmem>>[vector<16xi32>, vector<16xi32>], vector<16xf32>,
      %add3A_473 = arith.addf %gather3A_395, %gather3A_472 : vector<16xf32>
      %mul3A_474 = arith.constant 16 : i32
      %mul3A_475 = arith.muli %scan3A_67, %mul3A_474 : i32
      %add3A_476 = arith.constant 7584 : i32
      %add3A_477 = arith.addi %add3A_476, %mul3A_475 : i32
      %swap3A_478 = arith.index_cast %add3A_477 : i32 to index
      %swap3A_479 = tpu.vector_load %arg8[%swap3A_478] {strides = array<i32>} : memref<8192xf32, #tpu.memory_space<vmem>>, vector<16xf32>,
      tpu.vector_store %arg8[%swap3A_478], %add3A_473 {strides = array<i32>} : memref<8192xf32, #tpu.memory_space<vmem>>, vector<16xf32>,
      %mul3A_480 = arith.constant 0 : i32
      %mul3A_481 = vector.broadcast %mul3A_480 : i32 to vector<16xi32>
      %mul3A_482 = arith.muli %iota3A, %mul3A_481 : vector<16xi32>
      %add3A_483 = arith.constant 6 : i32
      %add3A_484 = vector.broadcast %add3A_483 : i32 to vector<16xi32>
      %add3A_485 = arith.addi %mul3A_482, %add3A_484 : vector<16xi32>
      %gather3A_486 = tpu.vector_load_idx %arg7[%add3A_485, %add3A_394] : memref<7x128xf32, #tpu.memory_space<vmem>>[vector<16xi32>, vector<16xi32>], vector<16xf32>,
      %add3A_487 = arith.addf %gather3A_395, %gather3A_486 : vector<16xf32>
      %mul3A_488 = arith.constant 16 : i32
      %mul3A_489 = arith.muli %scan3A_67, %mul3A_488 : i32
      %add3A_490 = arith.constant 7872 : i32
      %add3A_491 = arith.addi %add3A_490, %mul3A_489 : i32
      %swap3A_492 = arith.index_cast %add3A_491 : i32 to index
      %swap3A_493 = tpu.vector_load %arg8[%swap3A_492] {strides = array<i32>} : memref<8192xf32, #tpu.memory_space<vmem>>, vector<16xf32>,
      tpu.vector_store %arg8[%swap3A_492], %add3A_487 {strides = array<i32>} : memref<8192xf32, #tpu.memory_space<vmem>>, vector<16xf32>,
    }
    %scan3A_7 = arith.constant 18 : i32
    "tpu.trace_stop"() : () -> ()
    %mul3A_8 = arith.constant 4 : i32
    %mul3A_9 = arith.muli %arg1, %mul3A_8 : i32
    %add3A_10 = arith.constant 0 : i32
    %add3A_11 = arith.addi %mul3A_9, %add3A_10 : i32
    %run_scoped3A = arith.constant 0 : i32
    "tpu.region"() ({
      %run_scoped3A_67 = tpu.sem_alloc : memref<!tpu.dma_semaphore, #tpu.memory_space<semaphore_mem>>
      %dma_start3A_68 = arith.constant 0 : i32
      %dma_start3A_69 = tpu.memref_slice %arg2[%add3A_11, %run_scoped3A, %dma_start3A_68] : memref<64x2x2048xf32, #tpu.memory_space<hbm>> -> memref<1x1x2048xf32, #tpu.memory_space<hbm>>
      %dma_start3A_70 = tpu.memref_squeeze %dma_start3A_69 : memref<1x1x2048xf32, #tpu.memory_space<hbm>> -> memref<2048xf32, #tpu.memory_space<hbm>>
      %dma_start3A_71 = arith.constant 0 : i32
      %dma_start3A_72 = tpu.memref_slice %arg2[%add3A_11, %run_scoped3A, %dma_start3A_71] : memref<64x2x2048xf32, #tpu.memory_space<hbm>> -> memref<1x1x2048xf32, #tpu.memory_space<hbm>>
      %dma_start3A_73 = tpu.memref_squeeze %dma_start3A_72 : memref<1x1x2048xf32, #tpu.memory_space<hbm>> -> memref<2048xf32, #tpu.memory_space<hbm>>
      tpu.enqueue_dma source(%dma_start3A_73 : memref<2048xf32, #tpu.memory_space<hbm>>) target(%arg9 : memref<2048xf32, #tpu.memory_space<vmem>>) target_semaphore(%run_scoped3A_67 : memref<!tpu.dma_semaphore, #tpu.memory_space<semaphore_mem>>)
      %dma_wait3A_74 = arith.constant 0 : i32
      %dma_wait3A_75 = tpu.memref_slice %arg2[%add3A_11, %run_scoped3A, %dma_wait3A_74] : memref<64x2x2048xf32, #tpu.memory_space<hbm>> -> memref<1x1x2048xf32, #tpu.memory_space<hbm>>
      %dma_wait3A_76 = tpu.memref_squeeze %dma_wait3A_75 : memref<1x1x2048xf32, #tpu.memory_space<hbm>> -> memref<2048xf32, #tpu.memory_space<hbm>>
      %dma_wait3A_77 = arith.constant 0 : i32
      %dma_wait3A_78 = tpu.memref_slice %arg2[%add3A_11, %run_scoped3A, %dma_wait3A_77] : memref<64x2x2048xf32, #tpu.memory_space<hbm>> -> memref<1x1x2048xf32, #tpu.memory_space<hbm>>
      %dma_wait3A_79 = tpu.memref_squeeze %dma_wait3A_78 : memref<1x1x2048xf32, #tpu.memory_space<hbm>> -> memref<2048xf32, #tpu.memory_space<hbm>>
      tpu.wait_dma2 semaphore(%run_scoped3A_67 : memref<!tpu.dma_semaphore, #tpu.memory_space<semaphore_mem>>) src(%dma_wait3A_79 : memref<2048xf32, #tpu.memory_space<hbm>>) dst(%arg9 : memref<2048xf32, #tpu.memory_space<vmem>>)
      tpu.yield
    }) : () -> ()
    %run_scoped3A_12 = arith.constant 1 : i32
    "tpu.region"() ({
      %run_scoped3A_67 = tpu.sem_alloc : memref<!tpu.dma_semaphore, #tpu.memory_space<semaphore_mem>>
      %dma_start3A_68 = arith.constant 0 : i32
      %dma_start3A_69 = tpu.memref_slice %arg2[%add3A_11, %run_scoped3A_12, %dma_start3A_68] : memref<64x2x2048xf32, #tpu.memory_space<hbm>> -> memref<1x1x2048xf32, #tpu.memory_space<hbm>>
      %dma_start3A_70 = tpu.memref_squeeze %dma_start3A_69 : memref<1x1x2048xf32, #tpu.memory_space<hbm>> -> memref<2048xf32, #tpu.memory_space<hbm>>
      %dma_start3A_71 = arith.constant 0 : i32
      %dma_start3A_72 = tpu.memref_slice %arg2[%add3A_11, %run_scoped3A_12, %dma_start3A_71] : memref<64x2x2048xf32, #tpu.memory_space<hbm>> -> memref<1x1x2048xf32, #tpu.memory_space<hbm>>
      %dma_start3A_73 = tpu.memref_squeeze %dma_start3A_72 : memref<1x1x2048xf32, #tpu.memory_space<hbm>> -> memref<2048xf32, #tpu.memory_space<hbm>>
      tpu.enqueue_dma source(%dma_start3A_73 : memref<2048xf32, #tpu.memory_space<hbm>>) target(%arg10 : memref<2048xf32, #tpu.memory_space<vmem>>) target_semaphore(%run_scoped3A_67 : memref<!tpu.dma_semaphore, #tpu.memory_space<semaphore_mem>>)
      %dma_wait3A_74 = arith.constant 0 : i32
      %dma_wait3A_75 = tpu.memref_slice %arg2[%add3A_11, %run_scoped3A_12, %dma_wait3A_74] : memref<64x2x2048xf32, #tpu.memory_space<hbm>> -> memref<1x1x2048xf32, #tpu.memory_space<hbm>>
      %dma_wait3A_76 = tpu.memref_squeeze %dma_wait3A_75 : memref<1x1x2048xf32, #tpu.memory_space<hbm>> -> memref<2048xf32, #tpu.memory_space<hbm>>
      %dma_wait3A_77 = arith.constant 0 : i32
      %dma_wait3A_78 = tpu.memref_slice %arg2[%add3A_11, %run_scoped3A_12, %dma_wait3A_77] : memref<64x2x2048xf32, #tpu.memory_space<hbm>> -> memref<1x1x2048xf32, #tpu.memory_space<hbm>>
      %dma_wait3A_79 = tpu.memref_squeeze %dma_wait3A_78 : memref<1x1x2048xf32, #tpu.memory_space<hbm>> -> memref<2048xf32, #tpu.memory_space<hbm>>
      tpu.wait_dma2 semaphore(%run_scoped3A_67 : memref<!tpu.dma_semaphore, #tpu.memory_space<semaphore_mem>>) src(%dma_wait3A_79 : memref<2048xf32, #tpu.memory_space<hbm>>) dst(%arg10 : memref<2048xf32, #tpu.memory_space<vmem>>)
      tpu.yield
    }) : () -> ()
    %parallel_loop3A = arith.constant 0 : i32
    %parallel_loop3A_13 = arith.constant 128 : i32
    %parallel_loop3A_14 = arith.constant 1 : i32
    scf.for %parallel_loop3A_67 = %parallel_loop3A to %parallel_loop3A_13 step %parallel_loop3A_14  : i32 {
      %parallel_loop3A_68 = arith.constant 16 : i32
      %parallel_loop3A_69 = arith.muli %parallel_loop3A_67, %parallel_loop3A_68 : i32
      %parallel_loop3A_70 = arith.index_cast %parallel_loop3A_69 : i32 to index
      %parallel_loop3A_71 = tpu.vector_load %arg9[%parallel_loop3A_70] {strides = array<i32>} : memref<2048xf32, #tpu.memory_space<vmem>>, vector<16xf32>,
      %parallel_loop3A_72 = arith.constant 16 : i32
      %parallel_loop3A_73 = arith.muli %parallel_loop3A_67, %parallel_loop3A_72 : i32
      %parallel_loop3A_74 = arith.index_cast %parallel_loop3A_73 : i32 to index
      %parallel_loop3A_75 = tpu.vector_load %arg10[%parallel_loop3A_74] {strides = array<i32>} : memref<2048xf32, #tpu.memory_space<vmem>>, vector<16xf32>,
      %parallel_loop3A_76 = arith.constant 2.880000e+02 : f32
      %parallel_loop3A_77 = vector.broadcast %parallel_loop3A_76 : f32 to vector<16xf32>
      %parallel_loop3A_78 = arith.mulf %parallel_loop3A_71, %parallel_loop3A_77 : vector<16xf32>
      %parallel_loop3A_79 = arith.fptosi %parallel_loop3A_78 : vector<16xf32> to vector<16xi32>
      %parallel_loop3A_80 = arith.constant 0 : i32
      %parallel_loop3A_81 = vector.broadcast %parallel_loop3A_80 : i32 to vector<16xi32>
      %parallel_loop3A_82 = arith.maxsi %parallel_loop3A_79, %parallel_loop3A_81 : vector<16xi32>
      %parallel_loop3A_83 = arith.constant 287 : i32
      %parallel_loop3A_84 = vector.broadcast %parallel_loop3A_83 : i32 to vector<16xi32>
      %parallel_loop3A_85 = arith.minsi %parallel_loop3A_82, %parallel_loop3A_84 : vector<16xi32>
      %parallel_loop3A_86 = arith.fptosi %parallel_loop3A_75 : vector<16xf32> to vector<16xi32>
      %parallel_loop3A_87 = arith.constant 0 : i32
      %parallel_loop3A_88 = vector.broadcast %parallel_loop3A_87 : i32 to vector<16xi32>
      %parallel_loop3A_89 = arith.maxsi %parallel_loop3A_86, %parallel_loop3A_88 : vector<16xi32>
      %parallel_loop3A_90 = arith.constant 6 : i32
      %parallel_loop3A_91 = vector.broadcast %parallel_loop3A_90 : i32 to vector<16xi32>
      %parallel_loop3A_92 = arith.minsi %parallel_loop3A_89, %parallel_loop3A_91 : vector<16xi32>
      %parallel_loop3A_93 = arith.constant 288 : i32
      %parallel_loop3A_94 = vector.broadcast %parallel_loop3A_93 : i32 to vector<16xi32>
      %parallel_loop3A_95 = arith.muli %parallel_loop3A_92, %parallel_loop3A_94 : vector<16xi32>
      %parallel_loop3A_96 = arith.addi %parallel_loop3A_95, %parallel_loop3A_85 : vector<16xi32>
      %parallel_loop3A_97 = arith.constant 16 : i32
      %parallel_loop3A_98 = arith.muli %parallel_loop3A_67, %parallel_loop3A_97 : i32
      %parallel_loop3A_99 = arith.index_cast %parallel_loop3A_98 : i32 to index
      %parallel_loop3A_100 = tpu.vector_load %arg11[%parallel_loop3A_99] {strides = array<i32>} : memref<2048xi32, #tpu.memory_space<vmem>>, vector<16xi32>,
      tpu.vector_store %arg11[%parallel_loop3A_99], %parallel_loop3A_96 {strides = array<i32>} : memref<2048xi32, #tpu.memory_space<vmem>>, vector<16xi32>,
    } {sc.loop_unroll_factor = 2 : i64, sc.parallel_access}
    "tpu.region"() ({
      %run_scoped3A_67 = tpu.sem_alloc : memref<!tpu.dma_semaphore, #tpu.memory_space<semaphore_mem>>
      %dma_start3A_68 = arith.constant 0 : i32
      %dma_start3A_69 = tpu.memref_slice %arg16[%add3A_11, %dma_start3A_68] : memref<64x2048xi32, #tpu.memory_space<vmem_shared>> -> memref<1x2048xi32, #tpu.memory_space<vmem_shared>>
      %dma_start3A_70 = tpu.memref_squeeze %dma_start3A_69 : memref<1x2048xi32, #tpu.memory_space<vmem_shared>> -> memref<2048xi32, #tpu.memory_space<vmem_shared>>
      %dma_start3A_71 = arith.constant 0 : i32
      %dma_start3A_72 = tpu.memref_slice %arg16[%add3A_11, %dma_start3A_71] : memref<64x2048xi32, #tpu.memory_space<vmem_shared>> -> memref<1x2048xi32, #tpu.memory_space<vmem_shared>>
      %dma_start3A_73 = tpu.memref_squeeze %dma_start3A_72 : memref<1x2048xi32, #tpu.memory_space<vmem_shared>> -> memref<2048xi32, #tpu.memory_space<vmem_shared>>
      tpu.enqueue_dma source(%arg11 : memref<2048xi32, #tpu.memory_space<vmem>>) target(%dma_start3A_73 : memref<2048xi32, #tpu.memory_space<vmem_shared>>) target_semaphore(%run_scoped3A_67 : memref<!tpu.dma_semaphore, #tpu.memory_space<semaphore_mem>>)
      %dma_wait3A_74 = arith.constant 0 : i32
      %dma_wait3A_75 = tpu.memref_slice %arg16[%add3A_11, %dma_wait3A_74] : memref<64x2048xi32, #tpu.memory_space<vmem_shared>> -> memref<1x2048xi32, #tpu.memory_space<vmem_shared>>
      %dma_wait3A_76 = tpu.memref_squeeze %dma_wait3A_75 : memref<1x2048xi32, #tpu.memory_space<vmem_shared>> -> memref<2048xi32, #tpu.memory_space<vmem_shared>>
      %dma_wait3A_77 = arith.constant 0 : i32
      %dma_wait3A_78 = tpu.memref_slice %arg16[%add3A_11, %dma_wait3A_77] : memref<64x2048xi32, #tpu.memory_space<vmem_shared>> -> memref<1x2048xi32, #tpu.memory_space<vmem_shared>>
      %dma_wait3A_79 = tpu.memref_squeeze %dma_wait3A_78 : memref<1x2048xi32, #tpu.memory_space<vmem_shared>> -> memref<2048xi32, #tpu.memory_space<vmem_shared>>
      tpu.wait_dma2 semaphore(%run_scoped3A_67 : memref<!tpu.dma_semaphore, #tpu.memory_space<semaphore_mem>>) src(%arg11 : memref<2048xi32, #tpu.memory_space<vmem>>) dst(%dma_wait3A_79 : memref<2048xi32, #tpu.memory_space<vmem_shared>>)
      tpu.yield
    }) : () -> ()
    %mul3A_15 = arith.constant 4 : i32
    %mul3A_16 = arith.muli %arg1, %mul3A_15 : i32
    %add3A_17 = arith.constant 1 : i32
    %add3A_18 = arith.addi %mul3A_16, %add3A_17 : i32
    %run_scoped3A_19 = arith.constant 0 : i32
    "tpu.region"() ({
      %run_scoped3A_67 = tpu.sem_alloc : memref<!tpu.dma_semaphore, #tpu.memory_space<semaphore_mem>>
      %dma_start3A_68 = arith.constant 0 : i32
      %dma_start3A_69 = tpu.memref_slice %arg2[%add3A_18, %run_scoped3A_19, %dma_start3A_68] : memref<64x2x2048xf32, #tpu.memory_space<hbm>> -> memref<1x1x2048xf32, #tpu.memory_space<hbm>>
      %dma_start3A_70 = tpu.memref_squeeze %dma_start3A_69 : memref<1x1x2048xf32, #tpu.memory_space<hbm>> -> memref<2048xf32, #tpu.memory_space<hbm>>
      %dma_start3A_71 = arith.constant 0 : i32
      %dma_start3A_72 = tpu.memref_slice %arg2[%add3A_18, %run_scoped3A_19, %dma_start3A_71] : memref<64x2x2048xf32, #tpu.memory_space<hbm>> -> memref<1x1x2048xf32, #tpu.memory_space<hbm>>
      %dma_start3A_73 = tpu.memref_squeeze %dma_start3A_72 : memref<1x1x2048xf32, #tpu.memory_space<hbm>> -> memref<2048xf32, #tpu.memory_space<hbm>>
      tpu.enqueue_dma source(%dma_start3A_73 : memref<2048xf32, #tpu.memory_space<hbm>>) target(%arg9 : memref<2048xf32, #tpu.memory_space<vmem>>) target_semaphore(%run_scoped3A_67 : memref<!tpu.dma_semaphore, #tpu.memory_space<semaphore_mem>>)
      %dma_wait3A_74 = arith.constant 0 : i32
      %dma_wait3A_75 = tpu.memref_slice %arg2[%add3A_18, %run_scoped3A_19, %dma_wait3A_74] : memref<64x2x2048xf32, #tpu.memory_space<hbm>> -> memref<1x1x2048xf32, #tpu.memory_space<hbm>>
      %dma_wait3A_76 = tpu.memref_squeeze %dma_wait3A_75 : memref<1x1x2048xf32, #tpu.memory_space<hbm>> -> memref<2048xf32, #tpu.memory_space<hbm>>
      %dma_wait3A_77 = arith.constant 0 : i32
      %dma_wait3A_78 = tpu.memref_slice %arg2[%add3A_18, %run_scoped3A_19, %dma_wait3A_77] : memref<64x2x2048xf32, #tpu.memory_space<hbm>> -> memref<1x1x2048xf32, #tpu.memory_space<hbm>>
      %dma_wait3A_79 = tpu.memref_squeeze %dma_wait3A_78 : memref<1x1x2048xf32, #tpu.memory_space<hbm>> -> memref<2048xf32, #tpu.memory_space<hbm>>
      tpu.wait_dma2 semaphore(%run_scoped3A_67 : memref<!tpu.dma_semaphore, #tpu.memory_space<semaphore_mem>>) src(%dma_wait3A_79 : memref<2048xf32, #tpu.memory_space<hbm>>) dst(%arg9 : memref<2048xf32, #tpu.memory_space<vmem>>)
      tpu.yield
    }) : () -> ()
    %run_scoped3A_20 = arith.constant 1 : i32
    "tpu.region"() ({
      %run_scoped3A_67 = tpu.sem_alloc : memref<!tpu.dma_semaphore, #tpu.memory_space<semaphore_mem>>
      %dma_start3A_68 = arith.constant 0 : i32
      %dma_start3A_69 = tpu.memref_slice %arg2[%add3A_18, %run_scoped3A_20, %dma_start3A_68] : memref<64x2x2048xf32, #tpu.memory_space<hbm>> -> memref<1x1x2048xf32, #tpu.memory_space<hbm>>
      %dma_start3A_70 = tpu.memref_squeeze %dma_start3A_69 : memref<1x1x2048xf32, #tpu.memory_space<hbm>> -> memref<2048xf32, #tpu.memory_space<hbm>>
      %dma_start3A_71 = arith.constant 0 : i32
      %dma_start3A_72 = tpu.memref_slice %arg2[%add3A_18, %run_scoped3A_20, %dma_start3A_71] : memref<64x2x2048xf32, #tpu.memory_space<hbm>> -> memref<1x1x2048xf32, #tpu.memory_space<hbm>>
      %dma_start3A_73 = tpu.memref_squeeze %dma_start3A_72 : memref<1x1x2048xf32, #tpu.memory_space<hbm>> -> memref<2048xf32, #tpu.memory_space<hbm>>
      tpu.enqueue_dma source(%dma_start3A_73 : memref<2048xf32, #tpu.memory_space<hbm>>) target(%arg10 : memref<2048xf32, #tpu.memory_space<vmem>>) target_semaphore(%run_scoped3A_67 : memref<!tpu.dma_semaphore, #tpu.memory_space<semaphore_mem>>)
      %dma_wait3A_74 = arith.constant 0 : i32
      %dma_wait3A_75 = tpu.memref_slice %arg2[%add3A_18, %run_scoped3A_20, %dma_wait3A_74] : memref<64x2x2048xf32, #tpu.memory_space<hbm>> -> memref<1x1x2048xf32, #tpu.memory_space<hbm>>
      %dma_wait3A_76 = tpu.memref_squeeze %dma_wait3A_75 : memref<1x1x2048xf32, #tpu.memory_space<hbm>> -> memref<2048xf32, #tpu.memory_space<hbm>>
      %dma_wait3A_77 = arith.constant 0 : i32
      %dma_wait3A_78 = tpu.memref_slice %arg2[%add3A_18, %run_scoped3A_20, %dma_wait3A_77] : memref<64x2x2048xf32, #tpu.memory_space<hbm>> -> memref<1x1x2048xf32, #tpu.memory_space<hbm>>
      %dma_wait3A_79 = tpu.memref_squeeze %dma_wait3A_78 : memref<1x1x2048xf32, #tpu.memory_space<hbm>> -> memref<2048xf32, #tpu.memory_space<hbm>>
      tpu.wait_dma2 semaphore(%run_scoped3A_67 : memref<!tpu.dma_semaphore, #tpu.memory_space<semaphore_mem>>) src(%dma_wait3A_79 : memref<2048xf32, #tpu.memory_space<hbm>>) dst(%arg10 : memref<2048xf32, #tpu.memory_space<vmem>>)
      tpu.yield
    }) : () -> ()
    %parallel_loop3A_21 = arith.constant 0 : i32
    %parallel_loop3A_22 = arith.constant 128 : i32
    %parallel_loop3A_23 = arith.constant 1 : i32
    scf.for %parallel_loop3A_67 = %parallel_loop3A_21 to %parallel_loop3A_22 step %parallel_loop3A_23  : i32 {
      %parallel_loop3A_68 = arith.constant 16 : i32
      %parallel_loop3A_69 = arith.muli %parallel_loop3A_67, %parallel_loop3A_68 : i32
      %parallel_loop3A_70 = arith.index_cast %parallel_loop3A_69 : i32 to index
      %parallel_loop3A_71 = tpu.vector_load %arg9[%parallel_loop3A_70] {strides = array<i32>} : memref<2048xf32, #tpu.memory_space<vmem>>, vector<16xf32>,
      %parallel_loop3A_72 = arith.constant 16 : i32
      %parallel_loop3A_73 = arith.muli %parallel_loop3A_67, %parallel_loop3A_72 : i32
      %parallel_loop3A_74 = arith.index_cast %parallel_loop3A_73 : i32 to index
      %parallel_loop3A_75 = tpu.vector_load %arg10[%parallel_loop3A_74] {strides = array<i32>} : memref<2048xf32, #tpu.memory_space<vmem>>, vector<16xf32>,
      %parallel_loop3A_76 = arith.constant 2.880000e+02 : f32
      %parallel_loop3A_77 = vector.broadcast %parallel_loop3A_76 : f32 to vector<16xf32>
      %parallel_loop3A_78 = arith.mulf %parallel_loop3A_71, %parallel_loop3A_77 : vector<16xf32>
      %parallel_loop3A_79 = arith.fptosi %parallel_loop3A_78 : vector<16xf32> to vector<16xi32>
      %parallel_loop3A_80 = arith.constant 0 : i32
      %parallel_loop3A_81 = vector.broadcast %parallel_loop3A_80 : i32 to vector<16xi32>
      %parallel_loop3A_82 = arith.maxsi %parallel_loop3A_79, %parallel_loop3A_81 : vector<16xi32>
      %parallel_loop3A_83 = arith.constant 287 : i32
      %parallel_loop3A_84 = vector.broadcast %parallel_loop3A_83 : i32 to vector<16xi32>
      %parallel_loop3A_85 = arith.minsi %parallel_loop3A_82, %parallel_loop3A_84 : vector<16xi32>
      %parallel_loop3A_86 = arith.fptosi %parallel_loop3A_75 : vector<16xf32> to vector<16xi32>
      %parallel_loop3A_87 = arith.constant 0 : i32
      %parallel_loop3A_88 = vector.broadcast %parallel_loop3A_87 : i32 to vector<16xi32>
      %parallel_loop3A_89 = arith.maxsi %parallel_loop3A_86, %parallel_loop3A_88 : vector<16xi32>
      %parallel_loop3A_90 = arith.constant 6 : i32
      %parallel_loop3A_91 = vector.broadcast %parallel_loop3A_90 : i32 to vector<16xi32>
      %parallel_loop3A_92 = arith.minsi %parallel_loop3A_89, %parallel_loop3A_91 : vector<16xi32>
      %parallel_loop3A_93 = arith.constant 288 : i32
      %parallel_loop3A_94 = vector.broadcast %parallel_loop3A_93 : i32 to vector<16xi32>
      %parallel_loop3A_95 = arith.muli %parallel_loop3A_92, %parallel_loop3A_94 : vector<16xi32>
      %parallel_loop3A_96 = arith.addi %parallel_loop3A_95, %parallel_loop3A_85 : vector<16xi32>
      %parallel_loop3A_97 = arith.constant 16 : i32
      %parallel_loop3A_98 = arith.muli %parallel_loop3A_67, %parallel_loop3A_97 : i32
      %parallel_loop3A_99 = arith.index_cast %parallel_loop3A_98 : i32 to index
      %parallel_loop3A_100 = tpu.vector_load %arg11[%parallel_loop3A_99] {strides = array<i32>} : memref<2048xi32, #tpu.memory_space<vmem>>, vector<16xi32>,
      tpu.vector_store %arg11[%parallel_loop3A_99], %parallel_loop3A_96 {strides = array<i32>} : memref<2048xi32, #tpu.memory_space<vmem>>, vector<16xi32>,
    } {sc.loop_unroll_factor = 2 : i64, sc.parallel_access}
    "tpu.region"() ({
      %run_scoped3A_67 = tpu.sem_alloc : memref<!tpu.dma_semaphore, #tpu.memory_space<semaphore_mem>>
      %dma_start3A_68 = arith.constant 0 : i32
      %dma_start3A_69 = tpu.memref_slice %arg16[%add3A_18, %dma_start3A_68] : memref<64x2048xi32, #tpu.memory_space<vmem_shared>> -> memref<1x2048xi32, #tpu.memory_space<vmem_shared>>
      %dma_start3A_70 = tpu.memref_squeeze %dma_start3A_69 : memref<1x2048xi32, #tpu.memory_space<vmem_shared>> -> memref<2048xi32, #tpu.memory_space<vmem_shared>>
      %dma_start3A_71 = arith.constant 0 : i32
      %dma_start3A_72 = tpu.memref_slice %arg16[%add3A_18, %dma_start3A_71] : memref<64x2048xi32, #tpu.memory_space<vmem_shared>> -> memref<1x2048xi32, #tpu.memory_space<vmem_shared>>
      %dma_start3A_73 = tpu.memref_squeeze %dma_start3A_72 : memref<1x2048xi32, #tpu.memory_space<vmem_shared>> -> memref<2048xi32, #tpu.memory_space<vmem_shared>>
      tpu.enqueue_dma source(%arg11 : memref<2048xi32, #tpu.memory_space<vmem>>) target(%dma_start3A_73 : memref<2048xi32, #tpu.memory_space<vmem_shared>>) target_semaphore(%run_scoped3A_67 : memref<!tpu.dma_semaphore, #tpu.memory_space<semaphore_mem>>)
      %dma_wait3A_74 = arith.constant 0 : i32
      %dma_wait3A_75 = tpu.memref_slice %arg16[%add3A_18, %dma_wait3A_74] : memref<64x2048xi32, #tpu.memory_space<vmem_shared>> -> memref<1x2048xi32, #tpu.memory_space<vmem_shared>>
      %dma_wait3A_76 = tpu.memref_squeeze %dma_wait3A_75 : memref<1x2048xi32, #tpu.memory_space<vmem_shared>> -> memref<2048xi32, #tpu.memory_space<vmem_shared>>
      %dma_wait3A_77 = arith.constant 0 : i32
      %dma_wait3A_78 = tpu.memref_slice %arg16[%add3A_18, %dma_wait3A_77] : memref<64x2048xi32, #tpu.memory_space<vmem_shared>> -> memref<1x2048xi32, #tpu.memory_space<vmem_shared>>
      %dma_wait3A_79 = tpu.memref_squeeze %dma_wait3A_78 : memref<1x2048xi32, #tpu.memory_space<vmem_shared>> -> memref<2048xi32, #tpu.memory_space<vmem_shared>>
      tpu.wait_dma2 semaphore(%run_scoped3A_67 : memref<!tpu.dma_semaphore, #tpu.memory_space<semaphore_mem>>) src(%arg11 : memref<2048xi32, #tpu.memory_space<vmem>>) dst(%dma_wait3A_79 : memref<2048xi32, #tpu.memory_space<vmem_shared>>)
      tpu.yield
    }) : () -> ()
    %mul3A_24 = arith.constant 4 : i32
    %mul3A_25 = arith.muli %arg1, %mul3A_24 : i32
    %add3A_26 = arith.constant 2 : i32
    %add3A_27 = arith.addi %mul3A_25, %add3A_26 : i32
    %run_scoped3A_28 = arith.constant 0 : i32
    "tpu.region"() ({
      %run_scoped3A_67 = tpu.sem_alloc : memref<!tpu.dma_semaphore, #tpu.memory_space<semaphore_mem>>
      %dma_start3A_68 = arith.constant 0 : i32
      %dma_start3A_69 = tpu.memref_slice %arg2[%add3A_27, %run_scoped3A_28, %dma_start3A_68] : memref<64x2x2048xf32, #tpu.memory_space<hbm>> -> memref<1x1x2048xf32, #tpu.memory_space<hbm>>
      %dma_start3A_70 = tpu.memref_squeeze %dma_start3A_69 : memref<1x1x2048xf32, #tpu.memory_space<hbm>> -> memref<2048xf32, #tpu.memory_space<hbm>>
      %dma_start3A_71 = arith.constant 0 : i32
      %dma_start3A_72 = tpu.memref_slice %arg2[%add3A_27, %run_scoped3A_28, %dma_start3A_71] : memref<64x2x2048xf32, #tpu.memory_space<hbm>> -> memref<1x1x2048xf32, #tpu.memory_space<hbm>>
      %dma_start3A_73 = tpu.memref_squeeze %dma_start3A_72 : memref<1x1x2048xf32, #tpu.memory_space<hbm>> -> memref<2048xf32, #tpu.memory_space<hbm>>
      tpu.enqueue_dma source(%dma_start3A_73 : memref<2048xf32, #tpu.memory_space<hbm>>) target(%arg9 : memref<2048xf32, #tpu.memory_space<vmem>>) target_semaphore(%run_scoped3A_67 : memref<!tpu.dma_semaphore, #tpu.memory_space<semaphore_mem>>)
      %dma_wait3A_74 = arith.constant 0 : i32
      %dma_wait3A_75 = tpu.memref_slice %arg2[%add3A_27, %run_scoped3A_28, %dma_wait3A_74] : memref<64x2x2048xf32, #tpu.memory_space<hbm>> -> memref<1x1x2048xf32, #tpu.memory_space<hbm>>
      %dma_wait3A_76 = tpu.memref_squeeze %dma_wait3A_75 : memref<1x1x2048xf32, #tpu.memory_space<hbm>> -> memref<2048xf32, #tpu.memory_space<hbm>>
      %dma_wait3A_77 = arith.constant 0 : i32
      %dma_wait3A_78 = tpu.memref_slice %arg2[%add3A_27, %run_scoped3A_28, %dma_wait3A_77] : memref<64x2x2048xf32, #tpu.memory_space<hbm>> -> memref<1x1x2048xf32, #tpu.memory_space<hbm>>
      %dma_wait3A_79 = tpu.memref_squeeze %dma_wait3A_78 : memref<1x1x2048xf32, #tpu.memory_space<hbm>> -> memref<2048xf32, #tpu.memory_space<hbm>>
      tpu.wait_dma2 semaphore(%run_scoped3A_67 : memref<!tpu.dma_semaphore, #tpu.memory_space<semaphore_mem>>) src(%dma_wait3A_79 : memref<2048xf32, #tpu.memory_space<hbm>>) dst(%arg9 : memref<2048xf32, #tpu.memory_space<vmem>>)
      tpu.yield
    }) : () -> ()
    %run_scoped3A_29 = arith.constant 1 : i32
    "tpu.region"() ({
      %run_scoped3A_67 = tpu.sem_alloc : memref<!tpu.dma_semaphore, #tpu.memory_space<semaphore_mem>>
      %dma_start3A_68 = arith.constant 0 : i32
      %dma_start3A_69 = tpu.memref_slice %arg2[%add3A_27, %run_scoped3A_29, %dma_start3A_68] : memref<64x2x2048xf32, #tpu.memory_space<hbm>> -> memref<1x1x2048xf32, #tpu.memory_space<hbm>>
      %dma_start3A_70 = tpu.memref_squeeze %dma_start3A_69 : memref<1x1x2048xf32, #tpu.memory_space<hbm>> -> memref<2048xf32, #tpu.memory_space<hbm>>
      %dma_start3A_71 = arith.constant 0 : i32
      %dma_start3A_72 = tpu.memref_slice %arg2[%add3A_27, %run_scoped3A_29, %dma_start3A_71] : memref<64x2x2048xf32, #tpu.memory_space<hbm>> -> memref<1x1x2048xf32, #tpu.memory_space<hbm>>
      %dma_start3A_73 = tpu.memref_squeeze %dma_start3A_72 : memref<1x1x2048xf32, #tpu.memory_space<hbm>> -> memref<2048xf32, #tpu.memory_space<hbm>>
      tpu.enqueue_dma source(%dma_start3A_73 : memref<2048xf32, #tpu.memory_space<hbm>>) target(%arg10 : memref<2048xf32, #tpu.memory_space<vmem>>) target_semaphore(%run_scoped3A_67 : memref<!tpu.dma_semaphore, #tpu.memory_space<semaphore_mem>>)
      %dma_wait3A_74 = arith.constant 0 : i32
      %dma_wait3A_75 = tpu.memref_slice %arg2[%add3A_27, %run_scoped3A_29, %dma_wait3A_74] : memref<64x2x2048xf32, #tpu.memory_space<hbm>> -> memref<1x1x2048xf32, #tpu.memory_space<hbm>>
      %dma_wait3A_76 = tpu.memref_squeeze %dma_wait3A_75 : memref<1x1x2048xf32, #tpu.memory_space<hbm>> -> memref<2048xf32, #tpu.memory_space<hbm>>
      %dma_wait3A_77 = arith.constant 0 : i32
      %dma_wait3A_78 = tpu.memref_slice %arg2[%add3A_27, %run_scoped3A_29, %dma_wait3A_77] : memref<64x2x2048xf32, #tpu.memory_space<hbm>> -> memref<1x1x2048xf32, #tpu.memory_space<hbm>>
      %dma_wait3A_79 = tpu.memref_squeeze %dma_wait3A_78 : memref<1x1x2048xf32, #tpu.memory_space<hbm>> -> memref<2048xf32, #tpu.memory_space<hbm>>
      tpu.wait_dma2 semaphore(%run_scoped3A_67 : memref<!tpu.dma_semaphore, #tpu.memory_space<semaphore_mem>>) src(%dma_wait3A_79 : memref<2048xf32, #tpu.memory_space<hbm>>) dst(%arg10 : memref<2048xf32, #tpu.memory_space<vmem>>)
      tpu.yield
    }) : () -> ()
    %parallel_loop3A_30 = arith.constant 0 : i32
    %parallel_loop3A_31 = arith.constant 128 : i32
    %parallel_loop3A_32 = arith.constant 1 : i32
    scf.for %parallel_loop3A_67 = %parallel_loop3A_30 to %parallel_loop3A_31 step %parallel_loop3A_32  : i32 {
      %parallel_loop3A_68 = arith.constant 16 : i32
      %parallel_loop3A_69 = arith.muli %parallel_loop3A_67, %parallel_loop3A_68 : i32
      %parallel_loop3A_70 = arith.index_cast %parallel_loop3A_69 : i32 to index
      %parallel_loop3A_71 = tpu.vector_load %arg9[%parallel_loop3A_70] {strides = array<i32>} : memref<2048xf32, #tpu.memory_space<vmem>>, vector<16xf32>,
      %parallel_loop3A_72 = arith.constant 16 : i32
      %parallel_loop3A_73 = arith.muli %parallel_loop3A_67, %parallel_loop3A_72 : i32
      %parallel_loop3A_74 = arith.index_cast %parallel_loop3A_73 : i32 to index
      %parallel_loop3A_75 = tpu.vector_load %arg10[%parallel_loop3A_74] {strides = array<i32>} : memref<2048xf32, #tpu.memory_space<vmem>>, vector<16xf32>,
      %parallel_loop3A_76 = arith.constant 2.880000e+02 : f32
      %parallel_loop3A_77 = vector.broadcast %parallel_loop3A_76 : f32 to vector<16xf32>
      %parallel_loop3A_78 = arith.mulf %parallel_loop3A_71, %parallel_loop3A_77 : vector<16xf32>
      %parallel_loop3A_79 = arith.fptosi %parallel_loop3A_78 : vector<16xf32> to vector<16xi32>
      %parallel_loop3A_80 = arith.constant 0 : i32
      %parallel_loop3A_81 = vector.broadcast %parallel_loop3A_80 : i32 to vector<16xi32>
      %parallel_loop3A_82 = arith.maxsi %parallel_loop3A_79, %parallel_loop3A_81 : vector<16xi32>
      %parallel_loop3A_83 = arith.constant 287 : i32
      %parallel_loop3A_84 = vector.broadcast %parallel_loop3A_83 : i32 to vector<16xi32>
      %parallel_loop3A_85 = arith.minsi %parallel_loop3A_82, %parallel_loop3A_84 : vector<16xi32>
      %parallel_loop3A_86 = arith.fptosi %parallel_loop3A_75 : vector<16xf32> to vector<16xi32>
      %parallel_loop3A_87 = arith.constant 0 : i32
      %parallel_loop3A_88 = vector.broadcast %parallel_loop3A_87 : i32 to vector<16xi32>
      %parallel_loop3A_89 = arith.maxsi %parallel_loop3A_86, %parallel_loop3A_88 : vector<16xi32>
      %parallel_loop3A_90 = arith.constant 6 : i32
      %parallel_loop3A_91 = vector.broadcast %parallel_loop3A_90 : i32 to vector<16xi32>
      %parallel_loop3A_92 = arith.minsi %parallel_loop3A_89, %parallel_loop3A_91 : vector<16xi32>
      %parallel_loop3A_93 = arith.constant 288 : i32
      %parallel_loop3A_94 = vector.broadcast %parallel_loop3A_93 : i32 to vector<16xi32>
      %parallel_loop3A_95 = arith.muli %parallel_loop3A_92, %parallel_loop3A_94 : vector<16xi32>
      %parallel_loop3A_96 = arith.addi %parallel_loop3A_95, %parallel_loop3A_85 : vector<16xi32>
      %parallel_loop3A_97 = arith.constant 16 : i32
      %parallel_loop3A_98 = arith.muli %parallel_loop3A_67, %parallel_loop3A_97 : i32
      %parallel_loop3A_99 = arith.index_cast %parallel_loop3A_98 : i32 to index
      %parallel_loop3A_100 = tpu.vector_load %arg11[%parallel_loop3A_99] {strides = array<i32>} : memref<2048xi32, #tpu.memory_space<vmem>>, vector<16xi32>,
      tpu.vector_store %arg11[%parallel_loop3A_99], %parallel_loop3A_96 {strides = array<i32>} : memref<2048xi32, #tpu.memory_space<vmem>>, vector<16xi32>,
    } {sc.loop_unroll_factor = 2 : i64, sc.parallel_access}
    "tpu.region"() ({
      %run_scoped3A_67 = tpu.sem_alloc : memref<!tpu.dma_semaphore, #tpu.memory_space<semaphore_mem>>
      %dma_start3A_68 = arith.constant 0 : i32
      %dma_start3A_69 = tpu.memref_slice %arg16[%add3A_27, %dma_start3A_68] : memref<64x2048xi32, #tpu.memory_space<vmem_shared>> -> memref<1x2048xi32, #tpu.memory_space<vmem_shared>>
      %dma_start3A_70 = tpu.memref_squeeze %dma_start3A_69 : memref<1x2048xi32, #tpu.memory_space<vmem_shared>> -> memref<2048xi32, #tpu.memory_space<vmem_shared>>
      %dma_start3A_71 = arith.constant 0 : i32
      %dma_start3A_72 = tpu.memref_slice %arg16[%add3A_27, %dma_start3A_71] : memref<64x2048xi32, #tpu.memory_space<vmem_shared>> -> memref<1x2048xi32, #tpu.memory_space<vmem_shared>>
      %dma_start3A_73 = tpu.memref_squeeze %dma_start3A_72 : memref<1x2048xi32, #tpu.memory_space<vmem_shared>> -> memref<2048xi32, #tpu.memory_space<vmem_shared>>
      tpu.enqueue_dma source(%arg11 : memref<2048xi32, #tpu.memory_space<vmem>>) target(%dma_start3A_73 : memref<2048xi32, #tpu.memory_space<vmem_shared>>) target_semaphore(%run_scoped3A_67 : memref<!tpu.dma_semaphore, #tpu.memory_space<semaphore_mem>>)
      %dma_wait3A_74 = arith.constant 0 : i32
      %dma_wait3A_75 = tpu.memref_slice %arg16[%add3A_27, %dma_wait3A_74] : memref<64x2048xi32, #tpu.memory_space<vmem_shared>> -> memref<1x2048xi32, #tpu.memory_space<vmem_shared>>
      %dma_wait3A_76 = tpu.memref_squeeze %dma_wait3A_75 : memref<1x2048xi32, #tpu.memory_space<vmem_shared>> -> memref<2048xi32, #tpu.memory_space<vmem_shared>>
      %dma_wait3A_77 = arith.constant 0 : i32
      %dma_wait3A_78 = tpu.memref_slice %arg16[%add3A_27, %dma_wait3A_77] : memref<64x2048xi32, #tpu.memory_space<vmem_shared>> -> memref<1x2048xi32, #tpu.memory_space<vmem_shared>>
      %dma_wait3A_79 = tpu.memref_squeeze %dma_wait3A_78 : memref<1x2048xi32, #tpu.memory_space<vmem_shared>> -> memref<2048xi32, #tpu.memory_space<vmem_shared>>
      tpu.wait_dma2 semaphore(%run_scoped3A_67 : memref<!tpu.dma_semaphore, #tpu.memory_space<semaphore_mem>>) src(%arg11 : memref<2048xi32, #tpu.memory_space<vmem>>) dst(%dma_wait3A_79 : memref<2048xi32, #tpu.memory_space<vmem_shared>>)
      tpu.yield
    }) : () -> ()
    %mul3A_33 = arith.constant 4 : i32
    %mul3A_34 = arith.muli %arg1, %mul3A_33 : i32
    %add3A_35 = arith.constant 3 : i32
    %add3A_36 = arith.addi %mul3A_34, %add3A_35 : i32
    %run_scoped3A_37 = arith.constant 0 : i32
    "tpu.region"() ({
      %run_scoped3A_67 = tpu.sem_alloc : memref<!tpu.dma_semaphore, #tpu.memory_space<semaphore_mem>>
      %dma_start3A_68 = arith.constant 0 : i32
      %dma_start3A_69 = tpu.memref_slice %arg2[%add3A_36, %run_scoped3A_37, %dma_start3A_68] : memref<64x2x2048xf32, #tpu.memory_space<hbm>> -> memref<1x1x2048xf32, #tpu.memory_space<hbm>>
      %dma_start3A_70 = tpu.memref_squeeze %dma_start3A_69 : memref<1x1x2048xf32, #tpu.memory_space<hbm>> -> memref<2048xf32, #tpu.memory_space<hbm>>
      %dma_start3A_71 = arith.constant 0 : i32
      %dma_start3A_72 = tpu.memref_slice %arg2[%add3A_36, %run_scoped3A_37, %dma_start3A_71] : memref<64x2x2048xf32, #tpu.memory_space<hbm>> -> memref<1x1x2048xf32, #tpu.memory_space<hbm>>
      %dma_start3A_73 = tpu.memref_squeeze %dma_start3A_72 : memref<1x1x2048xf32, #tpu.memory_space<hbm>> -> memref<2048xf32, #tpu.memory_space<hbm>>
      tpu.enqueue_dma source(%dma_start3A_73 : memref<2048xf32, #tpu.memory_space<hbm>>) target(%arg9 : memref<2048xf32, #tpu.memory_space<vmem>>) target_semaphore(%run_scoped3A_67 : memref<!tpu.dma_semaphore, #tpu.memory_space<semaphore_mem>>)
      %dma_wait3A_74 = arith.constant 0 : i32
      %dma_wait3A_75 = tpu.memref_slice %arg2[%add3A_36, %run_scoped3A_37, %dma_wait3A_74] : memref<64x2x2048xf32, #tpu.memory_space<hbm>> -> memref<1x1x2048xf32, #tpu.memory_space<hbm>>
      %dma_wait3A_76 = tpu.memref_squeeze %dma_wait3A_75 : memref<1x1x2048xf32, #tpu.memory_space<hbm>> -> memref<2048xf32, #tpu.memory_space<hbm>>
      %dma_wait3A_77 = arith.constant 0 : i32
      %dma_wait3A_78 = tpu.memref_slice %arg2[%add3A_36, %run_scoped3A_37, %dma_wait3A_77] : memref<64x2x2048xf32, #tpu.memory_space<hbm>> -> memref<1x1x2048xf32, #tpu.memory_space<hbm>>
      %dma_wait3A_79 = tpu.memref_squeeze %dma_wait3A_78 : memref<1x1x2048xf32, #tpu.memory_space<hbm>> -> memref<2048xf32, #tpu.memory_space<hbm>>
      tpu.wait_dma2 semaphore(%run_scoped3A_67 : memref<!tpu.dma_semaphore, #tpu.memory_space<semaphore_mem>>) src(%dma_wait3A_79 : memref<2048xf32, #tpu.memory_space<hbm>>) dst(%arg9 : memref<2048xf32, #tpu.memory_space<vmem>>)
      tpu.yield
    }) : () -> ()
    %run_scoped3A_38 = arith.constant 1 : i32
    "tpu.region"() ({
      %run_scoped3A_67 = tpu.sem_alloc : memref<!tpu.dma_semaphore, #tpu.memory_space<semaphore_mem>>
      %dma_start3A_68 = arith.constant 0 : i32
      %dma_start3A_69 = tpu.memref_slice %arg2[%add3A_36, %run_scoped3A_38, %dma_start3A_68] : memref<64x2x2048xf32, #tpu.memory_space<hbm>> -> memref<1x1x2048xf32, #tpu.memory_space<hbm>>
      %dma_start3A_70 = tpu.memref_squeeze %dma_start3A_69 : memref<1x1x2048xf32, #tpu.memory_space<hbm>> -> memref<2048xf32, #tpu.memory_space<hbm>>
      %dma_start3A_71 = arith.constant 0 : i32
      %dma_start3A_72 = tpu.memref_slice %arg2[%add3A_36, %run_scoped3A_38, %dma_start3A_71] : memref<64x2x2048xf32, #tpu.memory_space<hbm>> -> memref<1x1x2048xf32, #tpu.memory_space<hbm>>
      %dma_start3A_73 = tpu.memref_squeeze %dma_start3A_72 : memref<1x1x2048xf32, #tpu.memory_space<hbm>> -> memref<2048xf32, #tpu.memory_space<hbm>>
      tpu.enqueue_dma source(%dma_start3A_73 : memref<2048xf32, #tpu.memory_space<hbm>>) target(%arg10 : memref<2048xf32, #tpu.memory_space<vmem>>) target_semaphore(%run_scoped3A_67 : memref<!tpu.dma_semaphore, #tpu.memory_space<semaphore_mem>>)
      %dma_wait3A_74 = arith.constant 0 : i32
      %dma_wait3A_75 = tpu.memref_slice %arg2[%add3A_36, %run_scoped3A_38, %dma_wait3A_74] : memref<64x2x2048xf32, #tpu.memory_space<hbm>> -> memref<1x1x2048xf32, #tpu.memory_space<hbm>>
      %dma_wait3A_76 = tpu.memref_squeeze %dma_wait3A_75 : memref<1x1x2048xf32, #tpu.memory_space<hbm>> -> memref<2048xf32, #tpu.memory_space<hbm>>
      %dma_wait3A_77 = arith.constant 0 : i32
      %dma_wait3A_78 = tpu.memref_slice %arg2[%add3A_36, %run_scoped3A_38, %dma_wait3A_77] : memref<64x2x2048xf32, #tpu.memory_space<hbm>> -> memref<1x1x2048xf32, #tpu.memory_space<hbm>>
      %dma_wait3A_79 = tpu.memref_squeeze %dma_wait3A_78 : memref<1x1x2048xf32, #tpu.memory_space<hbm>> -> memref<2048xf32, #tpu.memory_space<hbm>>
      tpu.wait_dma2 semaphore(%run_scoped3A_67 : memref<!tpu.dma_semaphore, #tpu.memory_space<semaphore_mem>>) src(%dma_wait3A_79 : memref<2048xf32, #tpu.memory_space<hbm>>) dst(%arg10 : memref<2048xf32, #tpu.memory_space<vmem>>)
      tpu.yield
    }) : () -> ()
    %parallel_loop3A_39 = arith.constant 0 : i32
    %parallel_loop3A_40 = arith.constant 128 : i32
    %parallel_loop3A_41 = arith.constant 1 : i32
    scf.for %parallel_loop3A_67 = %parallel_loop3A_39 to %parallel_loop3A_40 step %parallel_loop3A_41  : i32 {
      %parallel_loop3A_68 = arith.constant 16 : i32
      %parallel_loop3A_69 = arith.muli %parallel_loop3A_67, %parallel_loop3A_68 : i32
      %parallel_loop3A_70 = arith.index_cast %parallel_loop3A_69 : i32 to index
      %parallel_loop3A_71 = tpu.vector_load %arg9[%parallel_loop3A_70] {strides = array<i32>} : memref<2048xf32, #tpu.memory_space<vmem>>, vector<16xf32>,
      %parallel_loop3A_72 = arith.constant 16 : i32
      %parallel_loop3A_73 = arith.muli %parallel_loop3A_67, %parallel_loop3A_72 : i32
      %parallel_loop3A_74 = arith.index_cast %parallel_loop3A_73 : i32 to index
      %parallel_loop3A_75 = tpu.vector_load %arg10[%parallel_loop3A_74] {strides = array<i32>} : memref<2048xf32, #tpu.memory_space<vmem>>, vector<16xf32>,
      %parallel_loop3A_76 = arith.constant 2.880000e+02 : f32
      %parallel_loop3A_77 = vector.broadcast %parallel_loop3A_76 : f32 to vector<16xf32>
      %parallel_loop3A_78 = arith.mulf %parallel_loop3A_71, %parallel_loop3A_77 : vector<16xf32>
      %parallel_loop3A_79 = arith.fptosi %parallel_loop3A_78 : vector<16xf32> to vector<16xi32>
      %parallel_loop3A_80 = arith.constant 0 : i32
      %parallel_loop3A_81 = vector.broadcast %parallel_loop3A_80 : i32 to vector<16xi32>
      %parallel_loop3A_82 = arith.maxsi %parallel_loop3A_79, %parallel_loop3A_81 : vector<16xi32>
      %parallel_loop3A_83 = arith.constant 287 : i32
      %parallel_loop3A_84 = vector.broadcast %parallel_loop3A_83 : i32 to vector<16xi32>
      %parallel_loop3A_85 = arith.minsi %parallel_loop3A_82, %parallel_loop3A_84 : vector<16xi32>
      %parallel_loop3A_86 = arith.fptosi %parallel_loop3A_75 : vector<16xf32> to vector<16xi32>
      %parallel_loop3A_87 = arith.constant 0 : i32
      %parallel_loop3A_88 = vector.broadcast %parallel_loop3A_87 : i32 to vector<16xi32>
      %parallel_loop3A_89 = arith.maxsi %parallel_loop3A_86, %parallel_loop3A_88 : vector<16xi32>
      %parallel_loop3A_90 = arith.constant 6 : i32
      %parallel_loop3A_91 = vector.broadcast %parallel_loop3A_90 : i32 to vector<16xi32>
      %parallel_loop3A_92 = arith.minsi %parallel_loop3A_89, %parallel_loop3A_91 : vector<16xi32>
      %parallel_loop3A_93 = arith.constant 288 : i32
      %parallel_loop3A_94 = vector.broadcast %parallel_loop3A_93 : i32 to vector<16xi32>
      %parallel_loop3A_95 = arith.muli %parallel_loop3A_92, %parallel_loop3A_94 : vector<16xi32>
      %parallel_loop3A_96 = arith.addi %parallel_loop3A_95, %parallel_loop3A_85 : vector<16xi32>
      %parallel_loop3A_97 = arith.constant 16 : i32
      %parallel_loop3A_98 = arith.muli %parallel_loop3A_67, %parallel_loop3A_97 : i32
      %parallel_loop3A_99 = arith.index_cast %parallel_loop3A_98 : i32 to index
      %parallel_loop3A_100 = tpu.vector_load %arg11[%parallel_loop3A_99] {strides = array<i32>} : memref<2048xi32, #tpu.memory_space<vmem>>, vector<16xi32>,
      tpu.vector_store %arg11[%parallel_loop3A_99], %parallel_loop3A_96 {strides = array<i32>} : memref<2048xi32, #tpu.memory_space<vmem>>, vector<16xi32>,
    } {sc.loop_unroll_factor = 2 : i64, sc.parallel_access}
    "tpu.region"() ({
      %run_scoped3A_67 = tpu.sem_alloc : memref<!tpu.dma_semaphore, #tpu.memory_space<semaphore_mem>>
      %dma_start3A_68 = arith.constant 0 : i32
      %dma_start3A_69 = tpu.memref_slice %arg16[%add3A_36, %dma_start3A_68] : memref<64x2048xi32, #tpu.memory_space<vmem_shared>> -> memref<1x2048xi32, #tpu.memory_space<vmem_shared>>
      %dma_start3A_70 = tpu.memref_squeeze %dma_start3A_69 : memref<1x2048xi32, #tpu.memory_space<vmem_shared>> -> memref<2048xi32, #tpu.memory_space<vmem_shared>>
      %dma_start3A_71 = arith.constant 0 : i32
      %dma_start3A_72 = tpu.memref_slice %arg16[%add3A_36, %dma_start3A_71] : memref<64x2048xi32, #tpu.memory_space<vmem_shared>> -> memref<1x2048xi32, #tpu.memory_space<vmem_shared>>
      %dma_start3A_73 = tpu.memref_squeeze %dma_start3A_72 : memref<1x2048xi32, #tpu.memory_space<vmem_shared>> -> memref<2048xi32, #tpu.memory_space<vmem_shared>>
      tpu.enqueue_dma source(%arg11 : memref<2048xi32, #tpu.memory_space<vmem>>) target(%dma_start3A_73 : memref<2048xi32, #tpu.memory_space<vmem_shared>>) target_semaphore(%run_scoped3A_67 : memref<!tpu.dma_semaphore, #tpu.memory_space<semaphore_mem>>)
      %dma_wait3A_74 = arith.constant 0 : i32
      %dma_wait3A_75 = tpu.memref_slice %arg16[%add3A_36, %dma_wait3A_74] : memref<64x2048xi32, #tpu.memory_space<vmem_shared>> -> memref<1x2048xi32, #tpu.memory_space<vmem_shared>>
      %dma_wait3A_76 = tpu.memref_squeeze %dma_wait3A_75 : memref<1x2048xi32, #tpu.memory_space<vmem_shared>> -> memref<2048xi32, #tpu.memory_space<vmem_shared>>
      %dma_wait3A_77 = arith.constant 0 : i32
      %dma_wait3A_78 = tpu.memref_slice %arg16[%add3A_36, %dma_wait3A_77] : memref<64x2048xi32, #tpu.memory_space<vmem_shared>> -> memref<1x2048xi32, #tpu.memory_space<vmem_shared>>
      %dma_wait3A_79 = tpu.memref_squeeze %dma_wait3A_78 : memref<1x2048xi32, #tpu.memory_space<vmem_shared>> -> memref<2048xi32, #tpu.memory_space<vmem_shared>>
      tpu.wait_dma2 semaphore(%run_scoped3A_67 : memref<!tpu.dma_semaphore, #tpu.memory_space<semaphore_mem>>) src(%arg11 : memref<2048xi32, #tpu.memory_space<vmem>>) dst(%dma_wait3A_79 : memref<2048xi32, #tpu.memory_space<vmem_shared>>)
      tpu.yield
    }) : () -> ()
    "tpu.trace_start"() <{level = 10 : i32, message = "phaseA_barrier"}> : () -> ()
    %barrier3A = arith.constant 0 : index
    tpu.barrier barrier_id(%barrier3A)
    %dma_start3A = arith.constant 0 : i32
    "tpu.trace_stop"() : () -> ()
    %dma_start3A_42 = arith.constant 0 : i32
    %dma_start3A_43 = tpu.memref_slice %arg16[%dma_start3A, %dma_start3A_42] : memref<64x2048xi32, #tpu.memory_space<vmem_shared>> -> memref<1x2048xi32, #tpu.memory_space<vmem_shared>>
    %dma_start3A_44 = tpu.memref_squeeze %dma_start3A_43 : memref<1x2048xi32, #tpu.memory_space<vmem_shared>> -> memref<2048xi32, #tpu.memory_space<vmem_shared>>
    %dma_start3A_45 = arith.constant 0 : i32
    %dma_start3A_46 = tpu.memref_slice %arg16[%dma_start3A, %dma_start3A_45] : memref<64x2048xi32, #tpu.memory_space<vmem_shared>> -> memref<1x2048xi32, #tpu.memory_space<vmem_shared>>
    %dma_start3A_47 = tpu.memref_squeeze %dma_start3A_46 : memref<1x2048xi32, #tpu.memory_space<vmem_shared>> -> memref<2048xi32, #tpu.memory_space<vmem_shared>>
    tpu.enqueue_dma source(%dma_start3A_47 : memref<2048xi32, #tpu.memory_space<vmem_shared>>) target(%arg12 : memref<2048xi32, #tpu.memory_space<vmem>>) target_semaphore(%arg17 : memref<!tpu.dma_semaphore, #tpu.memory_space<semaphore_mem>>)
    "tpu.trace_start"() <{level = 10 : i32, message = "phaseB"}> : () -> ()
    %scan3A_48 = arith.constant 0 : i32
    %scan3A_49 = arith.constant 0 : i32
    %scan3A_50 = arith.constant 32 : i32
    %scan3A_51 = arith.addi %scan3A_49, %scan3A_50 : i32
    %scan3A_52 = arith.constant 1 : i32
    scf.for %scan3A_67 = %scan3A_49 to %scan3A_51 step %scan3A_52  : i32 {
      %mul3A_68 = arith.constant 2 : i32
      %mul3A_69 = arith.muli %scan3A_67, %mul3A_68 : i32
      %add3A_70 = arith.constant 0 : i32
      %add3A_71 = arith.addi %mul3A_69, %add3A_70 : i32
      %dma_wait3A_72 = arith.constant 0 : i32
      %dma_wait3A_73 = tpu.memref_slice %arg16[%add3A_71, %dma_wait3A_72] : memref<64x2048xi32, #tpu.memory_space<vmem_shared>> -> memref<1x2048xi32, #tpu.memory_space<vmem_shared>>
      %dma_wait3A_74 = tpu.memref_squeeze %dma_wait3A_73 : memref<1x2048xi32, #tpu.memory_space<vmem_shared>> -> memref<2048xi32, #tpu.memory_space<vmem_shared>>
      %dma_wait3A_75 = arith.constant 0 : i32
      %dma_wait3A_76 = tpu.memref_slice %arg16[%add3A_71, %dma_wait3A_75] : memref<64x2048xi32, #tpu.memory_space<vmem_shared>> -> memref<1x2048xi32, #tpu.memory_space<vmem_shared>>
      %dma_wait3A_77 = tpu.memref_squeeze %dma_wait3A_76 : memref<1x2048xi32, #tpu.memory_space<vmem_shared>> -> memref<2048xi32, #tpu.memory_space<vmem_shared>>
      tpu.wait_dma2 semaphore(%arg17 : memref<!tpu.dma_semaphore, #tpu.memory_space<semaphore_mem>>) src(%dma_wait3A_77 : memref<2048xi32, #tpu.memory_space<vmem_shared>>) dst(%arg12 : memref<2048xi32, #tpu.memory_space<vmem>>)
      %add3A_78 = arith.constant 1 : i32
      %add3A_79 = arith.addi %add3A_71, %add3A_78 : i32
      %lt3A = arith.constant 64 : i32
      %lt3A_80 = arith.cmpi slt, %add3A_79, %lt3A : i32
      %convert_element_type3A = arith.extui %lt3A_80 : i1 to i32
      %cond3A = arith.constant 0 : i32
      %cond3A_81 = arith.cmpi ne, %convert_element_type3A, %cond3A : i32
      scf.if %cond3A_81 {
        %add3A_126 = arith.constant 1 : i32
        %add3A_127 = arith.addi %add3A_71, %add3A_126 : i32
        %dma_start3A_128 = arith.constant 0 : i32
        %dma_start3A_129 = tpu.memref_slice %arg16[%add3A_127, %dma_start3A_128] : memref<64x2048xi32, #tpu.memory_space<vmem_shared>> -> memref<1x2048xi32, #tpu.memory_space<vmem_shared>>
        %dma_start3A_130 = tpu.memref_squeeze %dma_start3A_129 : memref<1x2048xi32, #tpu.memory_space<vmem_shared>> -> memref<2048xi32, #tpu.memory_space<vmem_shared>>
        %dma_start3A_131 = arith.constant 0 : i32
        %dma_start3A_132 = tpu.memref_slice %arg16[%add3A_127, %dma_start3A_131] : memref<64x2048xi32, #tpu.memory_space<vmem_shared>> -> memref<1x2048xi32, #tpu.memory_space<vmem_shared>>
        %dma_start3A_133 = tpu.memref_squeeze %dma_start3A_132 : memref<1x2048xi32, #tpu.memory_space<vmem_shared>> -> memref<2048xi32, #tpu.memory_space<vmem_shared>>
        tpu.enqueue_dma source(%dma_start3A_133 : memref<2048xi32, #tpu.memory_space<vmem_shared>>) target(%arg13 : memref<2048xi32, #tpu.memory_space<vmem>>) target_semaphore(%arg17 : memref<!tpu.dma_semaphore, #tpu.memory_space<semaphore_mem>>)
      } else {
      }
      %ge3A = arith.constant 2 : i32
      %ge3A_82 = arith.cmpi sge, %add3A_71, %ge3A : i32
      %convert_element_type3A_83 = arith.extui %ge3A_82 : i1 to i32
      %cond3A_84 = arith.constant 0 : i32
      %cond3A_85 = arith.cmpi ne, %convert_element_type3A_83, %cond3A_84 : i32
      scf.if %cond3A_85 {
        %sub3A = arith.constant 2 : i32
        %sub3A_126 = arith.subi %add3A_71, %sub3A : i32
        %dma_wait3A_127 = arith.constant 0 : i32
        %dma_wait3A_128 = tpu.memref_slice %arg5[%sub3A_126, %mul3A_2, %dma_wait3A_127] : memref<64x128x2048xf32, #tpu.memory_space<hbm>> -> memref<1x4x2048xf32, #tpu.memory_space<hbm>>
        %dma_wait3A_129 = tpu.memref_squeeze %dma_wait3A_128 : memref<1x4x2048xf32, #tpu.memory_space<hbm>> -> memref<4x2048xf32, #tpu.memory_space<hbm>>
        %dma_wait3A_130 = arith.constant 0 : i32
        %dma_wait3A_131 = tpu.memref_slice %arg5[%sub3A_126, %mul3A_2, %dma_wait3A_130] : memref<64x128x2048xf32, #tpu.memory_space<hbm>> -> memref<1x4x2048xf32, #tpu.memory_space<hbm>>
        %dma_wait3A_132 = tpu.memref_squeeze %dma_wait3A_131 : memref<1x4x2048xf32, #tpu.memory_space<hbm>> -> memref<4x2048xf32, #tpu.memory_space<hbm>>
        tpu.wait_dma2 semaphore(%arg18 : memref<!tpu.dma_semaphore, #tpu.memory_space<semaphore_mem>>) src(%arg14 : memref<4x2048xf32, #tpu.memory_space<vmem>>) dst(%dma_wait3A_132 : memref<4x2048xf32, #tpu.memory_space<hbm>>)
      } else {
      }
      %parallel_loop3A_86 = arith.constant 0 : i32
      %parallel_loop3A_87 = arith.constant 128 : i32
      %parallel_loop3A_88 = arith.constant 1 : i32
      scf.for %parallel_loop3A_126 = %parallel_loop3A_86 to %parallel_loop3A_87 step %parallel_loop3A_88  : i32 {
        %parallel_loop3A_127 = arith.constant 16 : i32
        %parallel_loop3A_128 = arith.muli %parallel_loop3A_126, %parallel_loop3A_127 : i32
        %parallel_loop3A_129 = arith.index_cast %parallel_loop3A_128 : i32 to index
        %parallel_loop3A_130 = tpu.vector_load %arg12[%parallel_loop3A_129] {strides = array<i32>} : memref<2048xi32, #tpu.memory_space<vmem>>, vector<16xi32>,
        %parallel_loop3A_131 = arith.constant 0 : i32
        %parallel_loop3A_132 = tpu.memref_slice %arg8[%parallel_loop3A_131] : memref<8192xf32, #tpu.memory_space<vmem>> -> memref<2048xf32, #tpu.memory_space<vmem>>
        %parallel_loop3A_133 = tpu.vector_load_idx %parallel_loop3A_132[%parallel_loop3A_130] : memref<2048xf32, #tpu.memory_space<vmem>>[vector<16xi32>], vector<16xf32>,
        %parallel_loop3A_134 = arith.constant 0 : i32
        %parallel_loop3A_135 = arith.index_cast %parallel_loop3A_134 : i32 to index
        %parallel_loop3A_136 = arith.index_cast %parallel_loop3A_128 : i32 to index
        %parallel_loop3A_137 = tpu.vector_load %arg14[%parallel_loop3A_135, %parallel_loop3A_136] {strides = array<i32>} : memref<4x2048xf32, #tpu.memory_space<vmem>>, vector<16xf32>,
        tpu.vector_store %arg14[%parallel_loop3A_135, %parallel_loop3A_136], %parallel_loop3A_133 {strides = array<i32>} : memref<4x2048xf32, #tpu.memory_space<vmem>>, vector<16xf32>,
        %parallel_loop3A_138 = arith.constant 2048 : i32
        %parallel_loop3A_139 = tpu.memref_slice %arg8[%parallel_loop3A_138] : memref<8192xf32, #tpu.memory_space<vmem>> -> memref<2048xf32, #tpu.memory_space<vmem>>
        %parallel_loop3A_140 = tpu.vector_load_idx %parallel_loop3A_139[%parallel_loop3A_130] : memref<2048xf32, #tpu.memory_space<vmem>>[vector<16xi32>], vector<16xf32>,
        %parallel_loop3A_141 = arith.constant 1 : i32
        %parallel_loop3A_142 = arith.index_cast %parallel_loop3A_141 : i32 to index
        %parallel_loop3A_143 = arith.index_cast %parallel_loop3A_128 : i32 to index
        %parallel_loop3A_144 = tpu.vector_load %arg14[%parallel_loop3A_142, %parallel_loop3A_143] {strides = array<i32>} : memref<4x2048xf32, #tpu.memory_space<vmem>>, vector<16xf32>,
        tpu.vector_store %arg14[%parallel_loop3A_142, %parallel_loop3A_143], %parallel_loop3A_140 {strides = array<i32>} : memref<4x2048xf32, #tpu.memory_space<vmem>>, vector<16xf32>,
        %parallel_loop3A_145 = arith.constant 4096 : i32
        %parallel_loop3A_146 = tpu.memref_slice %arg8[%parallel_loop3A_145] : memref<8192xf32, #tpu.memory_space<vmem>> -> memref<2048xf32, #tpu.memory_space<vmem>>
        %parallel_loop3A_147 = tpu.vector_load_idx %parallel_loop3A_146[%parallel_loop3A_130] : memref<2048xf32, #tpu.memory_space<vmem>>[vector<16xi32>], vector<16xf32>,
        %parallel_loop3A_148 = arith.constant 2 : i32
        %parallel_loop3A_149 = arith.index_cast %parallel_loop3A_148 : i32 to index
        %parallel_loop3A_150 = arith.index_cast %parallel_loop3A_128 : i32 to index
        %parallel_loop3A_151 = tpu.vector_load %arg14[%parallel_loop3A_149, %parallel_loop3A_150] {strides = array<i32>} : memref<4x2048xf32, #tpu.memory_space<vmem>>, vector<16xf32>,
        tpu.vector_store %arg14[%parallel_loop3A_149, %parallel_loop3A_150], %parallel_loop3A_147 {strides = array<i32>} : memref<4x2048xf32, #tpu.memory_space<vmem>>, vector<16xf32>,
        %parallel_loop3A_152 = arith.constant 6144 : i32
        %parallel_loop3A_153 = tpu.memref_slice %arg8[%parallel_loop3A_152] : memref<8192xf32, #tpu.memory_space<vmem>> -> memref<2048xf32, #tpu.memory_space<vmem>>
        %parallel_loop3A_154 = tpu.vector_load_idx %parallel_loop3A_153[%parallel_loop3A_130] : memref<2048xf32, #tpu.memory_space<vmem>>[vector<16xi32>], vector<16xf32>,
        %parallel_loop3A_155 = arith.constant 3 : i32
        %parallel_loop3A_156 = arith.index_cast %parallel_loop3A_155 : i32 to index
        %parallel_loop3A_157 = arith.index_cast %parallel_loop3A_128 : i32 to index
        %parallel_loop3A_158 = tpu.vector_load %arg14[%parallel_loop3A_156, %parallel_loop3A_157] {strides = array<i32>} : memref<4x2048xf32, #tpu.memory_space<vmem>>, vector<16xf32>,
        tpu.vector_store %arg14[%parallel_loop3A_156, %parallel_loop3A_157], %parallel_loop3A_154 {strides = array<i32>} : memref<4x2048xf32, #tpu.memory_space<vmem>>, vector<16xf32>,
      } {sc.loop_unroll_factor = 8 : i64, sc.parallel_access}
      %dma_start3A_89 = arith.constant 0 : i32
      %dma_start3A_90 = tpu.memref_slice %arg5[%add3A_71, %mul3A_2, %dma_start3A_89] : memref<64x128x2048xf32, #tpu.memory_space<hbm>> -> memref<1x4x2048xf32, #tpu.memory_space<hbm>>
      %dma_start3A_91 = tpu.memref_squeeze %dma_start3A_90 : memref<1x4x2048xf32, #tpu.memory_space<hbm>> -> memref<4x2048xf32, #tpu.memory_space<hbm>>
      %dma_start3A_92 = arith.constant 0 : i32
      %dma_start3A_93 = tpu.memref_slice %arg5[%add3A_71, %mul3A_2, %dma_start3A_92] : memref<64x128x2048xf32, #tpu.memory_space<hbm>> -> memref<1x4x2048xf32, #tpu.memory_space<hbm>>
      %dma_start3A_94 = tpu.memref_squeeze %dma_start3A_93 : memref<1x4x2048xf32, #tpu.memory_space<hbm>> -> memref<4x2048xf32, #tpu.memory_space<hbm>>
      tpu.enqueue_dma source(%arg14 : memref<4x2048xf32, #tpu.memory_space<vmem>>) target(%dma_start3A_94 : memref<4x2048xf32, #tpu.memory_space<hbm>>) target_semaphore(%arg18 : memref<!tpu.dma_semaphore, #tpu.memory_space<semaphore_mem>>)
      %mul3A_95 = arith.constant 2 : i32
      %mul3A_96 = arith.muli %scan3A_67, %mul3A_95 : i32
      %add3A_97 = arith.constant 1 : i32
      %add3A_98 = arith.addi %mul3A_96, %add3A_97 : i32
      %dma_wait3A_99 = arith.constant 0 : i32
      %dma_wait3A_100 = tpu.memref_slice %arg16[%add3A_98, %dma_wait3A_99] : memref<64x2048xi32, #tpu.memory_space<vmem_shared>> -> memref<1x2048xi32, #tpu.memory_space<vmem_shared>>
      %dma_wait3A_101 = tpu.memref_squeeze %dma_wait3A_100 : memref<1x2048xi32, #tpu.memory_space<vmem_shared>> -> memref<2048xi32, #tpu.memory_space<vmem_shared>>
      %dma_wait3A_102 = arith.constant 0 : i32
      %dma_wait3A_103 = tpu.memref_slice %arg16[%add3A_98, %dma_wait3A_102] : memref<64x2048xi32, #tpu.memory_space<vmem_shared>> -> memref<1x2048xi32, #tpu.memory_space<vmem_shared>>
      %dma_wait3A_104 = tpu.memref_squeeze %dma_wait3A_103 : memref<1x2048xi32, #tpu.memory_space<vmem_shared>> -> memref<2048xi32, #tpu.memory_space<vmem_shared>>
      tpu.wait_dma2 semaphore(%arg17 : memref<!tpu.dma_semaphore, #tpu.memory_space<semaphore_mem>>) src(%dma_wait3A_104 : memref<2048xi32, #tpu.memory_space<vmem_shared>>) dst(%arg13 : memref<2048xi32, #tpu.memory_space<vmem>>)
      %add3A_105 = arith.constant 1 : i32
      %add3A_106 = arith.addi %add3A_98, %add3A_105 : i32
      %lt3A_107 = arith.constant 64 : i32
      %lt3A_108 = arith.cmpi slt, %add3A_106, %lt3A_107 : i32
      %convert_element_type3A_109 = arith.extui %lt3A_108 : i1 to i32
      %cond3A_110 = arith.constant 0 : i32
      %cond3A_111 = arith.cmpi ne, %convert_element_type3A_109, %cond3A_110 : i32
      scf.if %cond3A_111 {
        %add3A_126 = arith.constant 1 : i32
        %add3A_127 = arith.addi %add3A_98, %add3A_126 : i32
        %dma_start3A_128 = arith.constant 0 : i32
        %dma_start3A_129 = tpu.memref_slice %arg16[%add3A_127, %dma_start3A_128] : memref<64x2048xi32, #tpu.memory_space<vmem_shared>> -> memref<1x2048xi32, #tpu.memory_space<vmem_shared>>
        %dma_start3A_130 = tpu.memref_squeeze %dma_start3A_129 : memref<1x2048xi32, #tpu.memory_space<vmem_shared>> -> memref<2048xi32, #tpu.memory_space<vmem_shared>>
        %dma_start3A_131 = arith.constant 0 : i32
        %dma_start3A_132 = tpu.memref_slice %arg16[%add3A_127, %dma_start3A_131] : memref<64x2048xi32, #tpu.memory_space<vmem_shared>> -> memref<1x2048xi32, #tpu.memory_space<vmem_shared>>
        %dma_start3A_133 = tpu.memref_squeeze %dma_start3A_132 : memref<1x2048xi32, #tpu.memory_space<vmem_shared>> -> memref<2048xi32, #tpu.memory_space<vmem_shared>>
        tpu.enqueue_dma source(%dma_start3A_133 : memref<2048xi32, #tpu.memory_space<vmem_shared>>) target(%arg12 : memref<2048xi32, #tpu.memory_space<vmem>>) target_semaphore(%arg17 : memref<!tpu.dma_semaphore, #tpu.memory_space<semaphore_mem>>)
      } else {
      }
      %ge3A_112 = arith.constant 2 : i32
      %ge3A_113 = arith.cmpi sge, %add3A_98, %ge3A_112 : i32
      %convert_element_type3A_114 = arith.extui %ge3A_113 : i1 to i32
      %cond3A_115 = arith.constant 0 : i32
      %cond3A_116 = arith.cmpi ne, %convert_element_type3A_114, %cond3A_115 : i32
      scf.if %cond3A_116 {
        %sub3A = arith.constant 2 : i32
        %sub3A_126 = arith.subi %add3A_98, %sub3A : i32
        %dma_wait3A_127 = arith.constant 0 : i32
        %dma_wait3A_128 = tpu.memref_slice %arg5[%sub3A_126, %mul3A_2, %dma_wait3A_127] : memref<64x128x2048xf32, #tpu.memory_space<hbm>> -> memref<1x4x2048xf32, #tpu.memory_space<hbm>>
        %dma_wait3A_129 = tpu.memref_squeeze %dma_wait3A_128 : memref<1x4x2048xf32, #tpu.memory_space<hbm>> -> memref<4x2048xf32, #tpu.memory_space<hbm>>
        %dma_wait3A_130 = arith.constant 0 : i32
        %dma_wait3A_131 = tpu.memref_slice %arg5[%sub3A_126, %mul3A_2, %dma_wait3A_130] : memref<64x128x2048xf32, #tpu.memory_space<hbm>> -> memref<1x4x2048xf32, #tpu.memory_space<hbm>>
        %dma_wait3A_132 = tpu.memref_squeeze %dma_wait3A_131 : memref<1x4x2048xf32, #tpu.memory_space<hbm>> -> memref<4x2048xf32, #tpu.memory_space<hbm>>
        tpu.wait_dma2 semaphore(%arg18 : memref<!tpu.dma_semaphore, #tpu.memory_space<semaphore_mem>>) src(%arg15 : memref<4x2048xf32, #tpu.memory_space<vmem>>) dst(%dma_wait3A_132 : memref<4x2048xf32, #tpu.memory_space<hbm>>)
      } else {
      }
      %parallel_loop3A_117 = arith.constant 0 : i32
      %parallel_loop3A_118 = arith.constant 128 : i32
      %parallel_loop3A_119 = arith.constant 1 : i32
      scf.for %parallel_loop3A_126 = %parallel_loop3A_117 to %parallel_loop3A_118 step %parallel_loop3A_119  : i32 {
        %parallel_loop3A_127 = arith.constant 16 : i32
        %parallel_loop3A_128 = arith.muli %parallel_loop3A_126, %parallel_loop3A_127 : i32
        %parallel_loop3A_129 = arith.index_cast %parallel_loop3A_128 : i32 to index
        %parallel_loop3A_130 = tpu.vector_load %arg13[%parallel_loop3A_129] {strides = array<i32>} : memref<2048xi32, #tpu.memory_space<vmem>>, vector<16xi32>,
        %parallel_loop3A_131 = arith.constant 0 : i32
        %parallel_loop3A_132 = tpu.memref_slice %arg8[%parallel_loop3A_131] : memref<8192xf32, #tpu.memory_space<vmem>> -> memref<2048xf32, #tpu.memory_space<vmem>>
        %parallel_loop3A_133 = tpu.vector_load_idx %parallel_loop3A_132[%parallel_loop3A_130] : memref<2048xf32, #tpu.memory_space<vmem>>[vector<16xi32>], vector<16xf32>,
        %parallel_loop3A_134 = arith.constant 0 : i32
        %parallel_loop3A_135 = arith.index_cast %parallel_loop3A_134 : i32 to index
        %parallel_loop3A_136 = arith.index_cast %parallel_loop3A_128 : i32 to index
        %parallel_loop3A_137 = tpu.vector_load %arg15[%parallel_loop3A_135, %parallel_loop3A_136] {strides = array<i32>} : memref<4x2048xf32, #tpu.memory_space<vmem>>, vector<16xf32>,
        tpu.vector_store %arg15[%parallel_loop3A_135, %parallel_loop3A_136], %parallel_loop3A_133 {strides = array<i32>} : memref<4x2048xf32, #tpu.memory_space<vmem>>, vector<16xf32>,
        %parallel_loop3A_138 = arith.constant 2048 : i32
        %parallel_loop3A_139 = tpu.memref_slice %arg8[%parallel_loop3A_138] : memref<8192xf32, #tpu.memory_space<vmem>> -> memref<2048xf32, #tpu.memory_space<vmem>>
        %parallel_loop3A_140 = tpu.vector_load_idx %parallel_loop3A_139[%parallel_loop3A_130] : memref<2048xf32, #tpu.memory_space<vmem>>[vector<16xi32>], vector<16xf32>,
        %parallel_loop3A_141 = arith.constant 1 : i32
        %parallel_loop3A_142 = arith.index_cast %parallel_loop3A_141 : i32 to index
        %parallel_loop3A_143 = arith.index_cast %parallel_loop3A_128 : i32 to index
        %parallel_loop3A_144 = tpu.vector_load %arg15[%parallel_loop3A_142, %parallel_loop3A_143] {strides = array<i32>} : memref<4x2048xf32, #tpu.memory_space<vmem>>, vector<16xf32>,
        tpu.vector_store %arg15[%parallel_loop3A_142, %parallel_loop3A_143], %parallel_loop3A_140 {strides = array<i32>} : memref<4x2048xf32, #tpu.memory_space<vmem>>, vector<16xf32>,
        %parallel_loop3A_145 = arith.constant 4096 : i32
        %parallel_loop3A_146 = tpu.memref_slice %arg8[%parallel_loop3A_145] : memref<8192xf32, #tpu.memory_space<vmem>> -> memref<2048xf32, #tpu.memory_space<vmem>>
        %parallel_loop3A_147 = tpu.vector_load_idx %parallel_loop3A_146[%parallel_loop3A_130] : memref<2048xf32, #tpu.memory_space<vmem>>[vector<16xi32>], vector<16xf32>,
        %parallel_loop3A_148 = arith.constant 2 : i32
        %parallel_loop3A_149 = arith.index_cast %parallel_loop3A_148 : i32 to index
        %parallel_loop3A_150 = arith.index_cast %parallel_loop3A_128 : i32 to index
        %parallel_loop3A_151 = tpu.vector_load %arg15[%parallel_loop3A_149, %parallel_loop3A_150] {strides = array<i32>} : memref<4x2048xf32, #tpu.memory_space<vmem>>, vector<16xf32>,
        tpu.vector_store %arg15[%parallel_loop3A_149, %parallel_loop3A_150], %parallel_loop3A_147 {strides = array<i32>} : memref<4x2048xf32, #tpu.memory_space<vmem>>, vector<16xf32>,
        %parallel_loop3A_152 = arith.constant 6144 : i32
        %parallel_loop3A_153 = tpu.memref_slice %arg8[%parallel_loop3A_152] : memref<8192xf32, #tpu.memory_space<vmem>> -> memref<2048xf32, #tpu.memory_space<vmem>>
        %parallel_loop3A_154 = tpu.vector_load_idx %parallel_loop3A_153[%parallel_loop3A_130] : memref<2048xf32, #tpu.memory_space<vmem>>[vector<16xi32>], vector<16xf32>,
        %parallel_loop3A_155 = arith.constant 3 : i32
        %parallel_loop3A_156 = arith.index_cast %parallel_loop3A_155 : i32 to index
        %parallel_loop3A_157 = arith.index_cast %parallel_loop3A_128 : i32 to index
        %parallel_loop3A_158 = tpu.vector_load %arg15[%parallel_loop3A_156, %parallel_loop3A_157] {strides = array<i32>} : memref<4x2048xf32, #tpu.memory_space<vmem>>, vector<16xf32>,
        tpu.vector_store %arg15[%parallel_loop3A_156, %parallel_loop3A_157], %parallel_loop3A_154 {strides = array<i32>} : memref<4x2048xf32, #tpu.memory_space<vmem>>, vector<16xf32>,
      } {sc.loop_unroll_factor = 8 : i64, sc.parallel_access}
      %dma_start3A_120 = arith.constant 0 : i32
      %dma_start3A_121 = tpu.memref_slice %arg5[%add3A_98, %mul3A_2, %dma_start3A_120] : memref<64x128x2048xf32, #tpu.memory_space<hbm>> -> memref<1x4x2048xf32, #tpu.memory_space<hbm>>
      %dma_start3A_122 = tpu.memref_squeeze %dma_start3A_121 : memref<1x4x2048xf32, #tpu.memory_space<hbm>> -> memref<4x2048xf32, #tpu.memory_space<hbm>>
      %dma_start3A_123 = arith.constant 0 : i32
      %dma_start3A_124 = tpu.memref_slice %arg5[%add3A_98, %mul3A_2, %dma_start3A_123] : memref<64x128x2048xf32, #tpu.memory_space<hbm>> -> memref<1x4x2048xf32, #tpu.memory_space<hbm>>
      %dma_start3A_125 = tpu.memref_squeeze %dma_start3A_124 : memref<1x4x2048xf32, #tpu.memory_space<hbm>> -> memref<4x2048xf32, #tpu.memory_space<hbm>>
      tpu.enqueue_dma source(%arg15 : memref<4x2048xf32, #tpu.memory_space<vmem>>) target(%dma_start3A_125 : memref<4x2048xf32, #tpu.memory_space<hbm>>) target_semaphore(%arg18 : memref<!tpu.dma_semaphore, #tpu.memory_space<semaphore_mem>>)
    }
    %scan3A_53 = arith.constant 32 : i32
    %dma_wait3A = arith.constant 62 : i32
    %dma_wait3A_54 = arith.constant 0 : i32
    %dma_wait3A_55 = tpu.memref_slice %arg5[%dma_wait3A, %mul3A_2, %dma_wait3A_54] : memref<64x128x2048xf32, #tpu.memory_space<hbm>> -> memref<1x4x2048xf32, #tpu.memory_space<hbm>>
    %dma_wait3A_56 = tpu.memref_squeeze %dma_wait3A_55 : memref<1x4x2048xf32, #tpu.memory_space<hbm>> -> memref<4x2048xf32, #tpu.memory_space<hbm>>
    %dma_wait3A_57 = arith.constant 0 : i32
    %dma_wait3A_58 = tpu.memref_slice %arg5[%dma_wait3A, %mul3A_2, %dma_wait3A_57] : memref<64x128x2048xf32, #tpu.memory_space<hbm>> -> memref<1x4x2048xf32, #tpu.memory_space<hbm>>
    %dma_wait3A_59 = tpu.memref_squeeze %dma_wait3A_58 : memref<1x4x2048xf32, #tpu.memory_space<hbm>> -> memref<4x2048xf32, #tpu.memory_space<hbm>>
    tpu.wait_dma2 semaphore(%arg18 : memref<!tpu.dma_semaphore, #tpu.memory_space<semaphore_mem>>) src(%arg14 : memref<4x2048xf32, #tpu.memory_space<vmem>>) dst(%dma_wait3A_59 : memref<4x2048xf32, #tpu.memory_space<hbm>>)
    %dma_wait3A_60 = arith.constant 63 : i32
    %dma_wait3A_61 = arith.constant 0 : i32
    %dma_wait3A_62 = tpu.memref_slice %arg5[%dma_wait3A_60, %mul3A_2, %dma_wait3A_61] : memref<64x128x2048xf32, #tpu.memory_space<hbm>> -> memref<1x4x2048xf32, #tpu.memory_space<hbm>>
    %dma_wait3A_63 = tpu.memref_squeeze %dma_wait3A_62 : memref<1x4x2048xf32, #tpu.memory_space<hbm>> -> memref<4x2048xf32, #tpu.memory_space<hbm>>
    %dma_wait3A_64 = arith.constant 0 : i32
    %dma_wait3A_65 = tpu.memref_slice %arg5[%dma_wait3A_60, %mul3A_2, %dma_wait3A_64] : memref<64x128x2048xf32, #tpu.memory_space<hbm>> -> memref<1x4x2048xf32, #tpu.memory_space<hbm>>
    %dma_wait3A_66 = tpu.memref_squeeze %dma_wait3A_65 : memref<1x4x2048xf32, #tpu.memory_space<hbm>> -> memref<4x2048xf32, #tpu.memory_space<hbm>>
    tpu.wait_dma2 semaphore(%arg18 : memref<!tpu.dma_semaphore, #tpu.memory_space<semaphore_mem>>) src(%arg15 : memref<4x2048xf32, #tpu.memory_space<vmem>>) dst(%dma_wait3A_66 : memref<4x2048xf32, #tpu.memory_space<hbm>>)
    "tpu.trace_stop"() : () -> ()
    return
  }
}

</mosaic_0001>

<sc_bundles>
// kernel: _run.3.cloned.1.call-start
scs
__scs_entry_jumppad:
0x0: {  	(pc) =	sbr.rel $0x88, $3  }
0x1: {  	(tag) =	ssettag $0x0;
	lr =	simm.s32 $0x1  }
0x2: {  	[smem:$0x3F9E] =	sst lr;
	_ =	strace $0xD0000000  }
0x3: {  	_ = 	snop  }
0x4: {  	_ = 	snop  }
0x5: {  	_ = 	snop  }
0x6: {  	_ = 	snop  }
0x7: {  	_ = 	snop  }
__scs_overlays_trampoline_lowered:
0x8: {  	[smem:$0x3FAD] =	sst s0  }
0x9: {  	[smem:$0x3FAE] =	sst s1  }
0xa: {  	[smem:$0x3FAF] =	sst s2  }
0xb: {  	[smem:$0x3FB0] =	sst s3  }
0xc: {  	[smem:$0x3FB1] =	sst s4  }
0xd: {  	[smem:$0x3FB2] =	sst s5  }
0xe: {  	[smem:$0x3FB3] =	sst s6  }
0xf: {  	[smem:$0x3FB4] =	sst s7  }
0x10: {  	[smem:$0x3FB5] =	sst s8  }
0x11: {  	[smem:$0x3FB6] =	sst s9;
	s0 =	simm.s32 @!p0 $0x0  }
0x12: {  	s1 =	sld [smem:$0x3F9C];
	s0 =	simm.s32 @p0 $0x1  }
0x13: {  	[smem:$0x3FB7] =	sst s0;
	s0 =	simm.s32 @!p1 $0x0  }
0x14: {  	s2 =	sld [smem:$0x3F9B];
	s0 =	simm.s32 @p1 $0x1  }
0x15: {  	[smem:$0x3FB8] =	sst s0;
	s0 =	simm.s32 @!p2 $0x0  }
0x16: {  	s3 =	sld [smem:$0x3FDB];
	s0 =	simm.s32 @p2 $0x1  }
0x17: {  	s4 =	simm.s32 $0x1BF5;
	[smem:$0x3FBA] =	sst s0  }
0x18: {  	s0 =	sld [smem:$0x3F9D];
	_ =	swait.ge [sflag:s4], $0x0  }
0x19: {  	s7 =	sld [smem:$0x3F9E]  }
0x1a: {  	s8 =	sadd.s32 $0xFFFFE003, lr  }
0x1b: {  	s9 =	sadd.s32 $0xFFFFFEF7, lr;
	s5 =	simm.s32 $0xFFFFFFFF;
	p2 =	slt.u32 s8, $0xFFFFF086  }
0x1c: {  	p1 =	slt.u32 s9, $0xF7A;
	s5 =	simm.s32 @!p2 $0x0  }
0x1d: {  	s5 =	simm.s32 @p1 $0x1;
	p0 =	seq.s32 s7, s2  }
0x1e: {  	s7 =	smul.u32 @!p0 $0xF7A, s2;
	p2 =	seq.s32 @!p0 s5, $0x0  }
0x1f: {  	s9 =	smul.u32 $0xF7A, s1;
	s8 =	simm.s32 @!p0 $0x1BF5;
	p2 =	por !p2, p0  }
0x20: {  	[sflag:s8] =	ssyncset.s32 @!p0 $0xFFFFF086;
	s6 =	sadd.s32 @!p0 s3, s7;
	s7 =	simm.s32 @!p0 $0x108  }
0x21: {  	s3 =	sadd.s32 s3, s9;
	s6 =	sadd.s32 @!p0 $0x88, s6;
	s7 =	simm.s32 @p2 $0x1082  }
0x22: {  	[simem:s7], [sflag:s8] =	dma.local @!p0 [hbm:s6], $0xF7A  }
0x23: {  	s9 =	sor.u32 $0xD0000000, s2;
	s6 =	simm.s32 $0x108;
	_ =	swait.ge @!p0 [sflag:s8], $0x0  }
0x24: {  	s3 =	sadd.s32 $0x88, s3;
	s6 =	simm.s32 @!p1 $0x1082;
	[sflag:s4] =	ssyncset.s32 $0xFFFFF086  }
0x25: {  	[simem:s6], [sflag:s4] =	dma.local [hbm:s3], $0xF7A  }
0x26: {  	[smem:$0x3F9E] =	sst s1;
	(tag) =	ssettag s2;
	_ =	strace s9  }
0x27: {  	s1 =	sld [smem:$0x3FAE]  }
0x28: {  	s2 =	sld [smem:$0x3FAF]  }
0x29: {  	s4 =	sld [smem:$0x3FB1]  }
0x2a: {  	p0 =	seq.s32 s5, $0x0;
	s5 =	sld [smem:$0x3FB2]  }
0x2b: {  	s6 =	sld [smem:$0x3FB3]  }
0x2c: {  	s7 =	sld [smem:$0x3FB4]  }
0x2d: {  	s3 =	simm.s32 $0x108;
	s8 =	sld [smem:$0x3FB5]  }
0x2e: {  	s3 =	simm.s32 @!p0 $0x1082;
	s9 =	sld [smem:$0x3FB6]  }
0x2f: {  	lr =	sadd.s32 s0, s3;
	s0 =	sld [smem:$0x3FAD]  }
0x30: {  	s3 =	sld [smem:$0x3FB0]  }
0x31: {  	[smem:$0x3FB9] =	sst s10  }
0x32: {  	s10 =	sld [smem:$0x3FB7];
	_ =	sdelay $0x3  }
0x33: {  	p0 =	seq.s32 s10, $0x1;
	s10 =	sld [smem:$0x3FB9];
	_ =	sdelay $0x3  }
0x34: {  	[smem:$0x3FB9] =	sst s10  }
0x35: {  	s10 =	sld [smem:$0x3FB8];
	_ =	sdelay $0x3  }
0x36: {  	p1 =	seq.s32 s10, $0x1;
	s10 =	sld [smem:$0x3FB9];
	_ =	sdelay $0x3  }
0x37: {  	[smem:$0x3FB9] =	sst s10  }
0x38: {  	s10 =	sld [smem:$0x3FBA]  }
0x39: {  	_ = 	snop;
	(pc) =	sbr.ind lr, $3  }
0x3a: {  	_ = 	snop  }
0x3b: {  	_ = 	snop  }
0x3c: {  	p2 =	seq.s32 s10, $0x1;
	s10 =	sld [smem:$0x3FB9]  }
0x3d: {  	_ =	shalt  }
0x3e: {  	_ =	shalt  }
0x3f: {  	_ =	shalt  }
0x40: {  	_ =	shalt  }
0x41: {  	_ =	shalt  }
0x42: {  	_ =	shalt  }
0x43: {  	_ =	shalt  }
0x44: {  	_ =	shalt  }
0x45: {  	_ =	shalt  }
0x46: {  	_ =	shalt  }
0x47: {  	_ =	shalt  }
0x48: {  	_ =	shalt  }
0x49: {  	_ =	shalt  }
0x4a: {  	_ =	shalt  }
0x4b: {  	_ =	shalt  }
0x4c: {  	_ =	shalt  }
0x4d: {  	_ =	shalt  }
0x4e: {  	_ =	shalt  }
0x4f: {  	_ =	shalt  }
0x50: {  	_ =	shalt  }
0x51: {  	_ =	shalt  }
0x52: {  	_ =	shalt  }
0x53: {  	_ =	shalt  }
0x54: {  	_ =	shalt  }
0x55: {  	_ =	shalt  }
0x56: {  	_ =	shalt  }
0x57: {  	_ =	shalt  }
0x58: {  	_ =	shalt  }
0x59: {  	_ =	shalt  }
0x5a: {  	_ =	shalt  }
0x5b: {  	_ =	shalt  }
0x5c: {  	_ =	shalt  }
0x5d: {  	_ =	shalt  }
0x5e: {  	_ =	shalt  }
0x5f: {  	_ =	shalt  }
0x60: {  	_ =	shalt  }
0x61: {  	_ =	shalt  }
0x62: {  	_ =	shalt  }
0x63: {  	_ =	shalt  }
0x64: {  	_ =	shalt  }
0x65: {  	_ =	shalt  }
0x66: {  	_ =	shalt  }
0x67: {  	_ =	shalt  }
0x68: {  	_ =	shalt  }
0x69: {  	_ =	shalt  }
0x6a: {  	_ =	shalt  }
0x6b: {  	_ =	shalt  }
0x6c: {  	_ =	shalt  }
0x6d: {  	_ =	shalt  }
0x6e: {  	_ =	shalt  }
0x6f: {  	_ =	shalt  }
0x70: {  	_ =	shalt  }
0x71: {  	_ =	shalt  }
0x72: {  	_ =	shalt  }
0x73: {  	_ =	shalt  }
0x74: {  	_ =	shalt  }
0x75: {  	_ =	shalt  }
0x76: {  	_ =	shalt  }
0x77: {  	_ =	shalt  }
0x78: {  	_ =	shalt  }
0x79: {  	_ =	shalt  }
0x7a: {  	_ =	shalt  }
0x7b: {  	_ =	shalt  }
0x7c: {  	_ =	shalt  }
0x7d: {  	_ =	shalt  }
0x7e: {  	_ =	shalt  }
0x7f: {  	_ =	shalt  }
0x80: {  	_ =	shalt  }
0x81: {  	_ =	shalt  }
0x82: {  	_ =	shalt  }
0x83: {  	_ =	shalt  }
0x84: {  	_ =	shalt  }
0x85: {  	_ =	shalt  }
0x86: {  	_ =	shalt  }
0x87: {  	_ =	shalt  }
.Lfunc_end0:
.L_simem_size_0:
called_computation_lowered:
.L_overlay_start_0:
0x88: {  	s2 =	sld [smem:$0x3FD9]  }
0x89: {  	s3 =	sld [smem:$0x3FFE];
	_ =	sdelay $0x1  }
0x8a: {  	s1 =	srdreg.scid  }
0x8b: {  	s0 =	sand.u32 $0x1, s1  }
0x8c: {  	s18 =	sshll.u32 s0, $0xA;
	s2 =	sadd.s32 s3, s2  }
0x8d: {  	s2 =	sadd.s32 s2, s18  }
0x8e: {  	[smem:$0x3FC5] =	sst s2  }
0x8f: {  	_ = 	snop  }
0x90: {  	s2 =	sld [smem:$0x3FC9]  }
0x91: {  	s19 =	sld [smem:$0x3FC8]  }
0x92: {  	s4 =	sld [smem:$0x3FC7]  }
0x93: {  	s5 =	sld [smem:$0x3FD0];
	(tm) =	ssettm $0x1  }
0x94: {  	s6 =	sld [smem:$0x3FFB];
	_ =	sdelay $0x3  }
0x95: {  	_ =	strace s6  }
0x96: {  	s6 =	sld [smem:$0x3FFC];
	_ =	sdelay $0x3  }
0x97: {  	_ =	strace s6  }
0x98: {  	s6 =	sld [smem:$0x3FFD];
	_ =	sdelay $0x3  }
0x99: {  	_ =	strace s6  }
0x9a: {  	_ =	strace $0x8FFFFFFF  }
0x9b: {  	s20 =	sld [smem:$0x3FDB];
	_ =	sdelay $0x1  }
0x9c: {  	s7 =	simm.s32 $_scs_section_size  }
0x9d: {  	s8 =	simm.s32 $_size__tile_overlayer_lowered;
	s9 =	simm.s32 $_tile_overlayer_lowered  }
0x9e: {  	s23 =	simm.s32 $0x1BFF;
	s22 =	sshll.u32 s9, $0x1;
	s6 =	sadd.s32 s7, s20  }
0x9f: {  	s10 =	simm.s32 $0x0;
	s21 =	sshll.u32 s8, $0x1;
	s8 =	sadd.s32 s22, s6  }
0xa0: {  	[timem:s10], [sflag:s23] =	dma.local [hbm:s8], s21  }
0xa1: {  	_ =	swait.ge [sflag:s23], s21  }
0xa2: {  	s7 =	ssub.s32 $0x0, s21;
	[sflag:s23] =	ssyncset.done $0x0  }
0xa3: {  	[sflag:s23] =	ssyncadd.s32 s7;
	_ =	sdelay $0x1  }
0xa4: {  	s24 =	simm.s32 $0x1B8B  }
0xa5: {  	_ =	swait.ge [sflag:s24], $0x1  }
0xa6: {  	[sflag:s24] =	ssyncset.done $0x0  }
0xa7: {  	s25 =	simm.s32 $0x1B8E;
	[sflag:s24] =	ssyncadd.s32 $0xFFFFFFFF  }
0xa8: {  	s26 =	simm.s32 $execute0_lowered;
	[smem:$0x3FD2] =	sst s25  }
0xa9: {  	s7 =	sshll.u32 s26, $0x1;
	_ =	strace $0x80000046;
	[dreg:$0x1] =	wrdreg $0xFFFFFFFF  }
0xaa: {  	s28 =	simm.s32 $_size_execute0_lowered;
	s6 =	sadd.s32 s6, s7;
	[dreg:$0x0] =	wrdreg $0x0  }
0xab: {  	s7 =	sshll.u32 s28, $0x1;
	[dreg:$0x2] =	wrdreg s6  }
0xac: {  	[dreg:$0x3] =	wrdreg s7  }
0xad: {  	[dreg:$0x4] =	wrdreg $0xC0  }
0xae: {  	_ =	task [dreg:s10], $0x5FFFF  }
0xaf: {  	[dreg:$0x1] =	wrdreg $0xFFFFFFFF  }
0xb0: {  	[dreg:$0x0] =	wrdreg $0x60  }
0xb1: {  	[dreg:$0x2] =	wrdreg s2  }
0xb2: {  	[dreg:$0x3] =	wrdreg s19  }
0xb3: {  	[dreg:$0x4] =	wrdreg s4  }
0xb4: {  	[dreg:$0x5] =	wrdreg s5  }
0xb5: {  	[dreg:$0x6] =	wrdreg $0x11C000  }
0xb6: {  	[dreg:$0x7] =	wrdreg $0x9  }
0xb7: {  	_ =	task.clear_ibuf [dreg:s10], $0x8FFFF;
	_ =	strace $0x90000046  }
0xb8: {  	s29 =	simm.s32 $0x9;
	_ =	strace $0x8000004C  }
0xb9: {  	_ =	swait.ge [sflag:s29], $0x1  }
0xba: {  	[sflag:s29] =	ssyncadd.s32 $0xFFFFFFFF  }
0xbb: {  	_ =	strace $0x9000004C  }
0xbc: {  	_ =	sfence  }
0xbd: {  	s30 =	sld [smem:$0x0];
	_ =	sdelay $0x2  }
0xbe: {  	s31 =	sshll.u32 s1, $0xD;
	s1 =	sshrl.u32 s1, $0x2  }
0xbf: {  	s3 =	sand.u32 $0x4000, s31;
	s1 =	sadd.s32 s1, s30  }
0xc0: {  	s0 =	sor.u32 s3, s0;
	s1 =	sshll.u32 s1, $0x11  }
0xc1: {  	s0 =	sor.u32 s1, s0  }
0xc2: {  	s0 =	sadd.s32 $0x8F2B, s0  }
0xc3: {  	[sflag:s0] =	ssyncadd.remote.s32 $0x1  }
0xc4: {  	_ =	sfence.sel $0xFFFF  }
0xc5: {  	[dreg:$0x0] =	wrdreg $0xFFFFFFFF;
	(pc) =	sbr.abs _section_cstart, $3  }
0xc6: {  	[dreg:$0x1] =	wrdreg $0xFFFFFFFF  }
0xc7: {  	_ =	task.clear_ibuf [dreg:s10], $0x2FFFF;
	_ =	strace $0x9FFFFFFF  }
0xc8: {  	(tm) =	ssettm $0x7FFFFFFF  }
0xc9: {  	_ =	shalt  }
tec
execute0_lowered:
.L_overlay_start_1:
0x0: {  	(tag) =	ssettag $0x1  }
0x1: {  	s0 =	rddreg [dreg:$0x0]  }
0x2: {  	s3 =	rddreg [dreg:$0x3]  }
0x3: {  	s4 =	rddreg [dreg:$0x4]  }
0x4: {  	s6 =	simm.s32 $0x0;
	s1 =	srdreg.scid;
	s15 =	stileid.u32  }
0x5: {  	s28 =	simm.s32 $0x400;
	s29 =	simm.s32 $0xC400;
	s31 =	simm.s32 $0x1  }
0x6: {  	s30 =	simm.s32 $0xAC00;
	[smem:$0x7FF] =	sst s6;
	s1 =	sand.u32 $0x1, s1  }
0x7: {  	s5 =	sshll.u32 s15, $0x3;
	s10 =	sshll.u32 s15, $0x2;
	s11 =	sshll.u32 s15, $0xB  }
0x8: {  	s13 =	sshll.u32 s15, $0xD;
	s25 =	sshll.u32 s15, $0x9;
	s20 =	sshllo.u32 s15, $0x2  }
0x9: {  	s2 =	ssub.s32 $0x2, s1;
	s7 =	sshll.u32 s1, $0x2;
	_ =	strace $0x80000047  }
0xa: {  	s12 =	sadd.s32 s0, s11;
	s24 =	sand.u32 $0x1C000, s13;
	s13 =	sand.u32 $0x200, s25  }
0xb: {  	s14 =	sor.u32 $0x1, s10;
	s10 =	sor.u32 $0x2, s10;
	s23 =	sshll.u32 s20, $0x7  }
0xc: {  	s1 =	sshll.u32 s1, $0x9;
	s8 =	sshrl.u32 s2, $0x1;
	s5 =	sor.u32 s7, s5  }
0xd: {  	[dreg:$0x6] =	wrdreg s12;
	s12 =	sadd.s32 $0x10, s0;
	s26 =	sshll.u32 s14, $0x9  }
0xe: {  	s14 =	sshll.u32 s14, $0x7;
	s18 =	sshll.u32 s10, $0x9;
	s10 =	sshll.u32 s10, $0x7  }
0xf: {  	s2 =	ssub.s32 s2, s8;
	s7 =	sor.u32 $0x1, s5;
	s8 =	sor.u32 $0x2, s5  }
0x10: {  	s9 =	sor.u32 $0x3, s5;
	s11 =	sadd.s32 s11, s12;
	s16 =	sadd.s32 s0, s26  }
0x11: {  	s14 =	sand.u32 $0x280, s14;
	s19 =	sadd.s32 s0, s18;
	[dreg:$0x7] =	wrdreg s11  }
0x12: {  	s21 =	sadd.s32 s18, s12;
	s22 =	sand.u32 $0x300, s10;
	[dreg:$0x9] =	wrdreg s16  }
0x13: {  	s10 =	sand.u32 $0x380, s23;
	s23 =	simm.s32 $0x80;
	[dreg:$0xc] =	wrdreg s19  }
0x14: {  	v28 =	vlaneseq.u32;
	s11 =	sadd.s32 s24, s4;
	[dreg:$0xd] =	wrdreg s21;
	s24 =	sshll.u32 s20, $0x9  }
0x15: {  	v28 =	vmul.u32 $0x80, v28;
	v0 =	vmov s5;
	s19 =	smax.u32 s2, $0x1;
	s21 =	simm.s32 $0x3;
	s2 =	simm.s32 $0xA400  }
0x16: {  	v5 =	vmov s7;
	v13 =	vmov s8;
	v14 =	vmov s9;
	s7 =	simm.s32 $0x200;
	s8 =	simm.s32 $0xDC00;
	s9 =	simm.s32 $0xFC00  }
0x17: {  	v1 =	vor.u32 $0x80, v0;
	v2 =	vor.u32 $0x100, v0;
	v3 =	vor.u32 $0x180, v0;
	s13 =	sadd.s32 s13, s11;
	s17 =	sadd.s32 s14, s11;
	s5 =	sadd.s32 s22, s11  }
0x18: {  	v4 =	vor.u32 $0x200, v0;
	v6 =	vor.u32 $0x280, v0;
	v7 =	vor.u32 $0x300, v0;
	s0 =	sadd.s32 s0, s24;
	s25 =	sadd.s32 s24, s12;
	[dreg:$0x8] =	wrdreg s13  }
0x19: {  	s18 =	sadd.s32 s10, s11;
	v8 =	vor.u32 $0x80, v5;
	v9 =	vor.u32 $0x100, v5;
	v10 =	vor.u32 $0x180, v5;
	s22 =	simm.s32 $0x9000;
	[dreg:$0xb] =	wrdreg s17  }
0x1a: {  	v11 =	vor.u32 $0x200, v5;
	v12 =	vor.u32 $0x280, v5;
	s24 =	simm.s32 $0x100;
	v15 =	vor.u32 $0x300, v5;
	s10 =	simm.s32 $0x2;
	[dreg:$0xe] =	wrdreg s5  }
0x1b: {  	v16 =	vor.u32 $0x80, v13;
	v17 =	vor.u32 $0x100, v13;
	v18 =	vor.u32 $0x180, v13;
	s11 =	simm.s32 $0x0;
	s13 =	sadd.s32 s26, s12;
	[dreg:$0xf] =	wrdreg s0  }
0x1c: {  	v19 =	vor.u32 $0x200, v13;
	v20 =	vor.u32 $0x280, v13;
	v21 =	vor.u32 $0x300, v13;
	[dreg:$0x10] =	wrdreg s25;
	s26 =	sshll.u32 s15, $0xE;
	s25 =	simm.s32 $0xB400  }
0x1d: {  	v22 =	vor.u32 $0x80, v14;
	v23 =	vor.u32 $0x100, v14;
	v24 =	vor.u32 $0x180, v14;
	s0 =	simm.s32 $0xD400;
	s5 =	simm.s32 $0x9400;
	[dreg:$0xa] =	wrdreg s13  }
0x1e: {  	v25 =	vor.u32 $0x200, v14;
	v26 =	vor.u32 $0x280, v14;
	v27 =	vor.u32 $0x300, v14;
	s20 =	sor.u32 s1, s26;
	s26 =	simm.s32 $0xBC00;
	s1 =	simm.s32 $0x9C00  }
.LBB2_1:
0x1f: {  	_ =	strace $0x80000048  }
0x20: {  	s12 =	rddreg [dreg:$0x1]  }
0x21: {  	[tilespmem:s6], [sflag:$0x3] =	stream.linear.gather [hbm4b:s12+s6], $0x9000, $0x200038;
	[tilespmem:$0x13C00] =	vst v63  }
0x22: {  	_ =	swait.ge [sflag:s21], $0x9000  }
0x23: {  	[sflag:s21] =	ssyncset.done $0x0  }
0x24: {  	[sflag:s21] =	ssyncadd.s32 $0xFFFF7000  }
0x25: {  	v29 =	vmov s6;
	s17 =	rddreg [dreg:$0x2]  }
0x26: {  	v29 =	vshll.u32 v29, $0x7;
	[tilespmem:s22], [sflag:$0x3] =	stream.linear.gather [hbm4b:s17+s6], $0x380, $0x200038;
	[tilespmem:$0x13C00] =	vst v63  }
0x27: {  	v29 =	vor.u32 v28, v29;
	_ =	swait.ge [sflag:s21], $0x380  }
0x28: {  	v30 =	vor.u32 v0, v29;
	[sflag:s21] =	ssyncset.done $0x0  }
0x29: {  	[sflag:s21] =	ssyncadd.s32 $0xFFFFFC80  }
0x2a: {  	_ =	strace $0x90000048  }
0x2b: {  	_ =	strace $0x80000049  }
0x2c: {  	v31 =	vld.idx.msk [tilespmem:v0+s22+$0x0], $0xffff  }
0x2d: {  	v30 =	vld.idx.msk [tilespmem:v30+s6+$0x0], $0xffff;
	_ =	sdelay $0x4  }
0x2e: {  	v31 =	vadd.f32 v31, v30  }
0x2f: {  	s12 =	simm.s32 $0xA520  }
0x30: {  	[tilespmem:s12+$0xFFFFEEE0] =	vst v31  }
0x31: {  	v31 =	vld.idx.msk [tilespmem:v1+s22+$0x0], $0xffff;
	_ =	sdelay $0x4  }
0x32: {  	v31 =	vadd.f32 v31, v30;
	_ =	sdelay $0x1  }
0x33: {  	[tilespmem:s12+$0xFFFFF000] =	vst v31  }
0x34: {  	v31 =	vld.idx.msk [tilespmem:v2+s22+$0x0], $0xffff;
	_ =	sdelay $0x4  }
0x35: {  	v31 =	vadd.f32 v31, v30;
	_ =	sdelay $0x1  }
0x36: {  	[tilespmem:s12+$0xFFFFF120] =	vst v31  }
0x37: {  	v31 =	vld.idx.msk [tilespmem:v3+s22+$0x0], $0xffff;
	_ =	sdelay $0x4  }
0x38: {  	v31 =	vadd.f32 v31, v30;
	_ =	sdelay $0x1  }
0x39: {  	[tilespmem:s12+$0xFFFFF240] =	vst v31  }
0x3a: {  	v31 =	vld.idx.msk [tilespmem:v4+s22+$0x0], $0xffff;
	_ =	sdelay $0x4  }
0x3b: {  	v31 =	vadd.f32 v31, v30  }
0x3c: {  	s13 =	sand.u32 $0x1F0, s6  }
0x3d: {  	[tilespmem:s13+$0x9880] =	vst v31  }
0x3e: {  	v31 =	vld.idx.msk [tilespmem:v6+s22+$0x0], $0xffff;
	_ =	sdelay $0x4  }
0x3f: {  	v31 =	vadd.f32 v31, v30;
	_ =	sdelay $0x1  }
0x40: {  	[tilespmem:s12+$0xFFFFF480] =	vst v31  }
0x41: {  	v31 =	vld.idx.msk [tilespmem:v7+s22+$0x0], $0xffff;
	_ =	sdelay $0x2  }
0x42: {  	v32 =	vor.u32 v5, v29;
	_ =	sdelay $0x1  }
0x43: {  	v30 =	vadd.f32 v31, v30;
	_ =	sdelay $0x1  }
0x44: {  	[tilespmem:s12+$0xFFFFF5A0] =	vst v30  }
0x45: {  	v30 =	vld.idx.msk [tilespmem:v32+s6+$0x0], $0xffff  }
0x46: {  	v31 =	vld.idx.msk [tilespmem:v5+s22+$0x0], $0xffff;
	_ =	sdelay $0x4  }
0x47: {  	v31 =	vadd.f32 v31, v30;
	_ =	sdelay $0x1  }
0x48: {  	[tilespmem:s13+$0x9C00] =	vst v31  }
0x49: {  	v31 =	vld.idx.msk [tilespmem:v8+s22+$0x0], $0xffff;
	_ =	sdelay $0x4  }
0x4a: {  	v31 =	vadd.f32 v31, v30;
	_ =	sdelay $0x1  }
0x4b: {  	[tilespmem:s12+$0xFFFFF800] =	vst v31  }
0x4c: {  	v31 =	vld.idx.msk [tilespmem:v9+s22+$0x0], $0xffff;
	_ =	sdelay $0x4  }
0x4d: {  	v31 =	vadd.f32 v31, v30;
	_ =	sdelay $0x1  }
0x4e: {  	[tilespmem:s12+$0xFFFFF920] =	vst v31  }
0x4f: {  	v31 =	vld.idx.msk [tilespmem:v10+s22+$0x0], $0xffff;
	_ =	sdelay $0x4  }
0x50: {  	v31 =	vadd.f32 v31, v30;
	_ =	sdelay $0x1  }
0x51: {  	[tilespmem:s12+$0xFFFFFA40] =	vst v31  }
0x52: {  	v31 =	vld.idx.msk [tilespmem:v11+s22+$0x0], $0xffff;
	_ =	sdelay $0x4  }
0x53: {  	v31 =	vadd.f32 v31, v30;
	_ =	sdelay $0x1  }
0x54: {  	[tilespmem:s13+$0xA080] =	vst v31  }
0x55: {  	v31 =	vld.idx.msk [tilespmem:v12+s22+$0x0], $0xffff;
	_ =	sdelay $0x4  }
0x56: {  	v31 =	vadd.f32 v31, v30;
	_ =	sdelay $0x1  }
0x57: {  	[tilespmem:s12+$0xFFFFFC80] =	vst v31  }
0x58: {  	v31 =	vld.idx.msk [tilespmem:v15+s22+$0x0], $0xffff;
	_ =	sdelay $0x2  }
0x59: {  	v63 =	vor.u32 v13, v29;
	_ =	sdelay $0x1  }
0x5a: {  	v30 =	vadd.f32 v31, v30;
	_ =	sdelay $0x1  }
0x5b: {  	[tilespmem:s12+$0xFFFFFDA0] =	vst v30  }
0x5c: {  	v30 =	vld.idx.msk [tilespmem:v63+s6+$0x0], $0xffff  }
0x5d: {  	v31 =	vld.idx.msk [tilespmem:v13+s22+$0x0], $0xffff;
	_ =	sdelay $0x4  }
0x5e: {  	v31 =	vadd.f32 v31, v30;
	_ =	sdelay $0x1  }
0x5f: {  	[tilespmem:s13+$0xA400] =	vst v31  }
0x60: {  	v31 =	vld.idx.msk [tilespmem:v16+s22+$0x0], $0xffff;
	_ =	sdelay $0x4  }
0x61: {  	v31 =	vadd.f32 v31, v30;
	_ =	sdelay $0x1  }
0x62: {  	[tilespmem:s12+$0x0] =	vst v31  }
0x63: {  	v31 =	vld.idx.msk [tilespmem:v17+s22+$0x0], $0xffff;
	_ =	sdelay $0x4  }
0x64: {  	v31 =	vadd.f32 v31, v30;
	_ =	sdelay $0x1  }
0x65: {  	[tilespmem:s12+$0x120] =	vst v31  }
0x66: {  	v31 =	vld.idx.msk [tilespmem:v18+s22+$0x0], $0xffff;
	_ =	sdelay $0x4  }
0x67: {  	v31 =	vadd.f32 v31, v30;
	_ =	sdelay $0x1  }
0x68: {  	[tilespmem:s12+$0x240] =	vst v31  }
0x69: {  	v31 =	vld.idx.msk [tilespmem:v19+s22+$0x0], $0xffff;
	_ =	sdelay $0x4  }
0x6a: {  	v31 =	vadd.f32 v31, v30;
	_ =	sdelay $0x1  }
0x6b: {  	[tilespmem:s13+$0xA880] =	vst v31  }
0x6c: {  	v31 =	vld.idx.msk [tilespmem:v20+s22+$0x0], $0xffff;
	_ =	sdelay $0x4  }
0x6d: {  	v31 =	vadd.f32 v31, v30;
	_ =	sdelay $0x1  }
0x6e: {  	[tilespmem:s12+$0x480] =	vst v31  }
0x6f: {  	v31 =	vld.idx.msk [tilespmem:v21+s22+$0x0], $0xffff;
	_ =	sdelay $0x2  }
0x70: {  	v29 =	vor.u32 v14, v29;
	_ =	sdelay $0x1  }
0x71: {  	v30 =	vadd.f32 v31, v30;
	_ =	sdelay $0x1  }
0x72: {  	[tilespmem:s12+$0x5A0] =	vst v30  }
0x73: {  	v30 =	vld.idx.msk [tilespmem:v29+s6+$0x0], $0xffff  }
0x74: {  	v29 =	vld.idx.msk [tilespmem:v14+s22+$0x0], $0xffff;
	_ =	sdelay $0x4  }
0x75: {  	v29 =	vadd.f32 v29, v30;
	_ =	sdelay $0x1  }
0x76: {  	[tilespmem:s13+$0xAC00] =	vst v29  }
0x77: {  	v29 =	vld.idx.msk [tilespmem:v22+s22+$0x0], $0xffff;
	_ =	sdelay $0x4  }
0x78: {  	v29 =	vadd.f32 v29, v30;
	_ =	sdelay $0x1  }
0x79: {  	[tilespmem:s12+$0x800] =	vst v29  }
0x7a: {  	v29 =	vld.idx.msk [tilespmem:v23+s22+$0x0], $0xffff;
	_ =	sdelay $0x4  }
0x7b: {  	v29 =	vadd.f32 v29, v30;
	_ =	sdelay $0x1  }
0x7c: {  	[tilespmem:s12+$0x920] =	vst v29  }
0x7d: {  	v29 =	vld.idx.msk [tilespmem:v24+s22+$0x0], $0xffff;
	_ =	sdelay $0x4  }
0x7e: {  	v29 =	vadd.f32 v29, v30;
	_ =	sdelay $0x1  }
0x7f: {  	[tilespmem:s12+$0xA40] =	vst v29  }
0x80: {  	v29 =	vld.idx.msk [tilespmem:v25+s22+$0x0], $0xffff;
	_ =	sdelay $0x4  }
0x81: {  	v29 =	vadd.f32 v29, v30;
	_ =	sdelay $0x1  }
0x82: {  	[tilespmem:s13+$0xB080] =	vst v29  }
0x83: {  	v29 =	vld.idx.msk [tilespmem:v26+s22+$0x0], $0xffff;
	_ =	sdelay $0x4  }
0x84: {  	v29 =	vadd.f32 v29, v30  }
0x85: {  	s13 =	simm.s32 $0x10  }
0x86: {  	v31 =	vmov s13;
	[tilespmem:s12+$0xC80] =	vst v29  }
0x87: {  	v29 =	vshll.u32 v31, $0x7;
	v31 =	vld.idx.msk [tilespmem:v27+s22+$0x0], $0xffff;
	_ =	sdelay $0x1  }
0x88: {  	s14 =	simm.s32 $0x20;
	s15 =	simm.s32 $0xA520;
	v29 =	vor.u32 v28, v29  }
.LBB2_2:
0x89: {  	p0 =	sne.s32 s14, $0x110  }
0x8a: {  	v32 =	vor.u32 v0, v29;
	s12 =	sadd.s32 $0x10, s12;
	s17 =	smov.u32 s14;
	s14 =	sadd.s32 $0x10, s14  }
0x8b: {  	v30 =	vadd.f32 v31, v30;
	_ =	sdelay $0x1  }
0x8c: {  	[tilespmem:s15+$0xDA0] =	vst v30;
	s15 =	smov.u32 s12  }
0x8d: {  	v30 =	vld.idx.msk [tilespmem:v0+s22+$0x0], $0xffff  }
0x8e: {  	v31 =	vld.idx.msk [tilespmem:v32+s6+$0x0], $0xffff;
	_ =	sdelay $0x5  }
0x8f: {  	v30 =	vadd.f32 v30, v31;
	_ =	sdelay $0x1  }
0x90: {  	[tilespmem:s12+$0xFFFFEEE0] =	vst v30  }
0x91: {  	v30 =	vld.idx.msk [tilespmem:v1+s22+$0x0], $0xffff;
	_ =	sdelay $0x5  }
0x92: {  	v30 =	vadd.f32 v30, v31;
	_ =	sdelay $0x1  }
0x93: {  	[tilespmem:s12+$0xFFFFF000] =	vst v30  }
0x94: {  	v30 =	vld.idx.msk [tilespmem:v2+s22+$0x0], $0xffff;
	_ =	sdelay $0x5  }
0x95: {  	v30 =	vadd.f32 v30, v31;
	_ =	sdelay $0x1  }
0x96: {  	[tilespmem:s12+$0xFFFFF120] =	vst v30  }
0x97: {  	v30 =	vld.idx.msk [tilespmem:v3+s22+$0x0], $0xffff;
	_ =	sdelay $0x5  }
0x98: {  	v30 =	vadd.f32 v30, v31;
	_ =	sdelay $0x1  }
0x99: {  	[tilespmem:s12+$0xFFFFF240] =	vst v30  }
0x9a: {  	v30 =	vld.idx.msk [tilespmem:v4+s22+$0x0], $0xffff;
	_ =	sdelay $0x5  }
0x9b: {  	v30 =	vadd.f32 v30, v31  }
0x9c: {  	s16 =	sand.u32 $0x1F0, s13;
	s13 =	smov.u32 s17  }
0x9d: {  	[tilespmem:s16+$0x9880] =	vst v30  }
0x9e: {  	v30 =	vld.idx.msk [tilespmem:v6+s22+$0x0], $0xffff;
	_ =	sdelay $0x5  }
0x9f: {  	v30 =	vadd.f32 v30, v31;
	_ =	sdelay $0x1  }
0xa0: {  	[tilespmem:s12+$0xFFFFF480] =	vst v30  }
0xa1: {  	v30 =	vld.idx.msk [tilespmem:v7+s22+$0x0], $0xffff;
	_ =	sdelay $0x3  }
0xa2: {  	v32 =	vor.u32 v5, v29;
	_ =	sdelay $0x1  }
0xa3: {  	v30 =	vadd.f32 v30, v31;
	_ =	sdelay $0x1  }
0xa4: {  	[tilespmem:s12+$0xFFFFF5A0] =	vst v30  }
0xa5: {  	v30 =	vld.idx.msk [tilespmem:v32+s6+$0x0], $0xffff  }
0xa6: {  	v31 =	vld.idx.msk [tilespmem:v5+s22+$0x0], $0xffff;
	_ =	sdelay $0x5  }
0xa7: {  	v31 =	vadd.f32 v31, v30;
	_ =	sdelay $0x1  }
0xa8: {  	[tilespmem:s16+$0x9C00] =	vst v31  }
0xa9: {  	v31 =	vld.idx.msk [tilespmem:v8+s22+$0x0], $0xffff;
	_ =	sdelay $0x5  }
0xaa: {  	v31 =	vadd.f32 v31, v30;
	_ =	sdelay $0x1  }
0xab: {  	[tilespmem:s12+$0xFFFFF800] =	vst v31  }
0xac: {  	v31 =	vld.idx.msk [tilespmem:v9+s22+$0x0], $0xffff;
	_ =	sdelay $0x5  }
0xad: {  	v31 =	vadd.f32 v31, v30;
	_ =	sdelay $0x1  }
0xae: {  	[tilespmem:s12+$0xFFFFF920] =	vst v31  }
0xaf: {  	v31 =	vld.idx.msk [tilespmem:v10+s22+$0x0], $0xffff;
	_ =	sdelay $0x5  }
0xb0: {  	v31 =	vadd.f32 v31, v30;
	_ =	sdelay $0x1  }
0xb1: {  	[tilespmem:s12+$0xFFFFFA40] =	vst v31  }
0xb2: {  	v31 =	vld.idx.msk [tilespmem:v11+s22+$0x0], $0xffff;
	_ =	sdelay $0x5  }
0xb3: {  	v31 =	vadd.f32 v31, v30;
	_ =	sdelay $0x1  }
0xb4: {  	[tilespmem:s16+$0xA080] =	vst v31  }
0xb5: {  	v31 =	vld.idx.msk [tilespmem:v12+s22+$0x0], $0xffff;
	_ =	sdelay $0x5  }
0xb6: {  	v31 =	vadd.f32 v31, v30;
	_ =	sdelay $0x1  }
0xb7: {  	[tilespmem:s12+$0xFFFFFC80] =	vst v31  }
0xb8: {  	v31 =	vld.idx.msk [tilespmem:v15+s22+$0x0], $0xffff;
	_ =	sdelay $0x3  }
0xb9: {  	v32 =	vor.u32 v13, v29;
	_ =	sdelay $0x1  }
0xba: {  	v30 =	vadd.f32 v31, v30;
	_ =	sdelay $0x1  }
0xbb: {  	[tilespmem:s12+$0xFFFFFDA0] =	vst v30  }
0xbc: {  	v30 =	vld.idx.msk [tilespmem:v32+s6+$0x0], $0xffff  }
0xbd: {  	v31 =	vld.idx.msk [tilespmem:v13+s22+$0x0], $0xffff;
	_ =	sdelay $0x5  }
0xbe: {  	v31 =	vadd.f32 v31, v30;
	_ =	sdelay $0x1  }
0xbf: {  	[tilespmem:s16+$0xA400] =	vst v31  }
0xc0: {  	v31 =	vld.idx.msk [tilespmem:v16+s22+$0x0], $0xffff;
	_ =	sdelay $0x5  }
0xc1: {  	v31 =	vadd.f32 v31, v30;
	_ =	sdelay $0x1  }
0xc2: {  	[tilespmem:s12+$0x0] =	vst v31  }
0xc3: {  	v31 =	vld.idx.msk [tilespmem:v17+s22+$0x0], $0xffff;
	_ =	sdelay $0x5  }
0xc4: {  	v31 =	vadd.f32 v31, v30;
	_ =	sdelay $0x1  }
0xc5: {  	[tilespmem:s12+$0x120] =	vst v31  }
0xc6: {  	v31 =	vld.idx.msk [tilespmem:v18+s22+$0x0], $0xffff;
	_ =	sdelay $0x5  }
0xc7: {  	v31 =	vadd.f32 v31, v30;
	_ =	sdelay $0x1  }
0xc8: {  	[tilespmem:s12+$0x240] =	vst v31  }
0xc9: {  	v31 =	vld.idx.msk [tilespmem:v19+s22+$0x0], $0xffff;
	_ =	sdelay $0x5  }
0xca: {  	v31 =	vadd.f32 v31, v30;
	_ =	sdelay $0x1  }
0xcb: {  	[tilespmem:s16+$0xA880] =	vst v31  }
0xcc: {  	v31 =	vld.idx.msk [tilespmem:v20+s22+$0x0], $0xffff;
	_ =	sdelay $0x5  }
0xcd: {  	v31 =	vadd.f32 v31, v30;
	_ =	sdelay $0x1  }
0xce: {  	[tilespmem:s12+$0x480] =	vst v31  }
0xcf: {  	v31 =	vld.idx.msk [tilespmem:v21+s22+$0x0], $0xffff;
	_ =	sdelay $0x3  }
0xd0: {  	v29 =	vor.u32 v14, v29;
	_ =	sdelay $0x1  }
0xd1: {  	v30 =	vadd.f32 v31, v30;
	_ =	sdelay $0x1  }
0xd2: {  	[tilespmem:s12+$0x5A0] =	vst v30  }
0xd3: {  	v30 =	vld.idx.msk [tilespmem:v29+s6+$0x0], $0xffff  }
0xd4: {  	v29 =	vld.idx.msk [tilespmem:v14+s22+$0x0], $0xffff;
	_ =	sdelay $0x5  }
0xd5: {  	v29 =	vadd.f32 v29, v30;
	_ =	sdelay $0x1  }
0xd6: {  	[tilespmem:s16+$0xAC00] =	vst v29  }
0xd7: {  	v29 =	vld.idx.msk [tilespmem:v22+s22+$0x0], $0xffff;
	_ =	sdelay $0x5  }
0xd8: {  	v29 =	vadd.f32 v29, v30;
	_ =	sdelay $0x1  }
0xd9: {  	[tilespmem:s12+$0x800] =	vst v29  }
0xda: {  	v29 =	vld.idx.msk [tilespmem:v23+s22+$0x0], $0xffff;
	_ =	sdelay $0x5  }
0xdb: {  	v29 =	vadd.f32 v29, v30;
	_ =	sdelay $0x1  }
0xdc: {  	[tilespmem:s12+$0x920] =	vst v29  }
0xdd: {  	v29 =	vld.idx.msk [tilespmem:v24+s22+$0x0], $0xffff;
	_ =	sdelay $0x5  }
0xde: {  	v29 =	vadd.f32 v29, v30;
	_ =	sdelay $0x1  }
0xdf: {  	[tilespmem:s12+$0xA40] =	vst v29  }
0xe0: {  	v29 =	vld.idx.msk [tilespmem:v25+s22+$0x0], $0xffff;
	_ =	sdelay $0x5  }
0xe1: {  	v29 =	vadd.f32 v29, v30;
	_ =	sdelay $0x1  }
0xe2: {  	[tilespmem:s16+$0xB080] =	vst v29  }
0xe3: {  	v29 =	vld.idx.msk [tilespmem:v26+s22+$0x0], $0xffff;
	_ =	sdelay $0x5  }
0xe4: {  	v29 =	vadd.f32 v29, v30;
	_ =	sdelay $0x1  }
0xe5: {  	[tilespmem:s12+$0xC80] =	vst v29  }
.Ltmp0:
0xe6: {  	v31 =	vld.idx.msk [tilespmem:v27+s22+$0x0], $0xffff;
	(pc) =	sbr.rel @p0 .LBB2_2-.Ltmp0, $4  }
0xe7: {  	_ = 	snop  }
0xe8: {  	v29 =	vmov s13  }
0xe9: {  	v29 =	vshll.u32 v29, $0x7  }
0xea: {  	v29 =	vor.u32 v28, v29  }
0xeb: {  	v32 =	vor.u32 v0, v29  }
0xec: {  	v30 =	vadd.f32 v31, v30;
	_ =	sdelay $0x1  }
0xed: {  	[tilespmem:s15+$0xDA0] =	vst v30  }
0xee: {  	v30 =	vld.idx.msk [tilespmem:v0+s22+$0x0], $0xffff  }
0xef: {  	v31 =	vld.idx.msk [tilespmem:v32+s6+$0x0], $0xffff;
	_ =	sdelay $0x4  }
0xf0: {  	v30 =	vadd.f32 v30, v31  }
0xf1: {  	s12 =	sadd.s32 $0x10, s12  }
0xf2: {  	[tilespmem:s12+$0xFFFFEEE0] =	vst v30  }
0xf3: {  	v30 =	vld.idx.msk [tilespmem:v1+s22+$0x0], $0xffff;
	_ =	sdelay $0x4  }
0xf4: {  	v30 =	vadd.f32 v30, v31;
	_ =	sdelay $0x1  }
0xf5: {  	[tilespmem:s12+$0xFFFFF000] =	vst v30  }
0xf6: {  	v30 =	vld.idx.msk [tilespmem:v2+s22+$0x0], $0xffff;
	_ =	sdelay $0x4  }
0xf7: {  	v30 =	vadd.f32 v30, v31;
	_ =	sdelay $0x1  }
0xf8: {  	[tilespmem:s12+$0xFFFFF120] =	vst v30  }
0xf9: {  	v30 =	vld.idx.msk [tilespmem:v3+s22+$0x0], $0xffff;
	_ =	sdelay $0x4  }
0xfa: {  	v30 =	vadd.f32 v30, v31;
	_ =	sdelay $0x1  }
0xfb: {  	[tilespmem:s12+$0xFFFFF240] =	vst v30  }
0xfc: {  	v30 =	vld.idx.msk [tilespmem:v4+s22+$0x0], $0xffff;
	_ =	sdelay $0x4  }
0xfd: {  	v30 =	vadd.f32 v30, v31  }
0xfe: {  	s13 =	sand.u32 $0x1F0, s13  }
0xff: {  	[tilespmem:s13+$0x9880] =	vst v30  }
0x100: {  	v30 =	vld.idx.msk [tilespmem:v6+s22+$0x0], $0xffff;
	_ =	sdelay $0x4  }
0x101: {  	v30 =	vadd.f32 v30, v31;
	_ =	sdelay $0x1  }
0x102: {  	[tilespmem:s12+$0xFFFFF480] =	vst v30  }
0x103: {  	v30 =	vld.idx.msk [tilespmem:v7+s22+$0x0], $0xffff;
	_ =	sdelay $0x2  }
0x104: {  	v59 =	vor.u32 v5, v29;
	_ =	sdelay $0x1  }
0x105: {  	v30 =	vadd.f32 v30, v31;
	_ =	sdelay $0x1  }
0x106: {  	[tilespmem:s12+$0xFFFFF5A0] =	vst v30  }
0x107: {  	v30 =	vld.idx.msk [tilespmem:v59+s6+$0x0], $0xffff  }
0x108: {  	v31 =	vld.idx.msk [tilespmem:v5+s22+$0x0], $0xffff;
	_ =	sdelay $0x4  }
0x109: {  	v31 =	vadd.f32 v31, v30;
	_ =	sdelay $0x1  }
0x10a: {  	[tilespmem:s13+$0x9C00] =	vst v31  }
0x10b: {  	v31 =	vld.idx.msk [tilespmem:v8+s22+$0x0], $0xffff;
	_ =	sdelay $0x4  }
0x10c: {  	v31 =	vadd.f32 v31, v30;
	_ =	sdelay $0x1  }
0x10d: {  	[tilespmem:s12+$0xFFFFF800] =	vst v31  }
0x10e: {  	v31 =	vld.idx.msk [tilespmem:v9+s22+$0x0], $0xffff;
	_ =	sdelay $0x4  }
0x10f: {  	v31 =	vadd.f32 v31, v30;
	_ =	sdelay $0x1  }
0x110: {  	[tilespmem:s12+$0xFFFFF920] =	vst v31  }
0x111: {  	v31 =	vld.idx.msk [tilespmem:v10+s22+$0x0], $0xffff;
	_ =	sdelay $0x4  }
0x112: {  	v31 =	vadd.f32 v31, v30;
	_ =	sdelay $0x1  }
0x113: {  	[tilespmem:s12+$0xFFFFFA40] =	vst v31  }
0x114: {  	v31 =	vld.idx.msk [tilespmem:v11+s22+$0x0], $0xffff;
	_ =	sdelay $0x4  }
0x115: {  	v31 =	vadd.f32 v31, v30;
	_ =	sdelay $0x1  }
0x116: {  	[tilespmem:s13+$0xA080] =	vst v31  }
0x117: {  	v31 =	vld.idx.msk [tilespmem:v12+s22+$0x0], $0xffff;
	_ =	sdelay $0x4  }
0x118: {  	v31 =	vadd.f32 v31, v30;
	_ =	sdelay $0x1  }
0x119: {  	[tilespmem:s12+$0xFFFFFC80] =	vst v31  }
0x11a: {  	v31 =	vld.idx.msk [tilespmem:v15+s22+$0x0], $0xffff;
	_ =	sdelay $0x2  }
0x11b: {  	v60 =	vor.u32 v13, v29;
	_ =	sdelay $0x1  }
0x11c: {  	v30 =	vadd.f32 v31, v30;
	_ =	sdelay $0x1  }
0x11d: {  	[tilespmem:s12+$0xFFFFFDA0] =	vst v30  }
0x11e: {  	v30 =	vld.idx.msk [tilespmem:v60+s6+$0x0], $0xffff  }
0x11f: {  	v31 =	vld.idx.msk [tilespmem:v13+s22+$0x0], $0xffff;
	_ =	sdelay $0x4  }
0x120: {  	v31 =	vadd.f32 v31, v30;
	_ =	sdelay $0x1  }
0x121: {  	[tilespmem:s13+$0xA400] =	vst v31  }
0x122: {  	v31 =	vld.idx.msk [tilespmem:v16+s22+$0x0], $0xffff;
	_ =	sdelay $0x4  }
0x123: {  	v31 =	vadd.f32 v31, v30;
	_ =	sdelay $0x1  }
0x124: {  	[tilespmem:s12+$0x0] =	vst v31  }
0x125: {  	v31 =	vld.idx.msk [tilespmem:v17+s22+$0x0], $0xffff;
	_ =	sdelay $0x4  }
0x126: {  	v31 =	vadd.f32 v31, v30;
	_ =	sdelay $0x1  }
0x127: {  	[tilespmem:s12+$0x120] =	vst v31  }
0x128: {  	v31 =	vld.idx.msk [tilespmem:v18+s22+$0x0], $0xffff;
	_ =	sdelay $0x4  }
0x129: {  	v31 =	vadd.f32 v31, v30;
	_ =	sdelay $0x1  }
0x12a: {  	[tilespmem:s12+$0x240] =	vst v31  }
0x12b: {  	v31 =	vld.idx.msk [tilespmem:v19+s22+$0x0], $0xffff;
	_ =	sdelay $0x4  }
0x12c: {  	v31 =	vadd.f32 v31, v30;
	_ =	sdelay $0x1  }
0x12d: {  	[tilespmem:s13+$0xA880] =	vst v31  }
0x12e: {  	v31 =	vld.idx.msk [tilespmem:v20+s22+$0x0], $0xffff;
	_ =	sdelay $0x4  }
0x12f: {  	v31 =	vadd.f32 v31, v30;
	_ =	sdelay $0x1  }
0x130: {  	[tilespmem:s12+$0x480] =	vst v31  }
0x131: {  	v31 =	vld.idx.msk [tilespmem:v21+s22+$0x0], $0xffff;
	_ =	sdelay $0x2  }
0x132: {  	v29 =	vor.u32 v14, v29;
	_ =	sdelay $0x1  }
0x133: {  	v30 =	vadd.f32 v31, v30;
	_ =	sdelay $0x1  }
0x134: {  	[tilespmem:s12+$0x5A0] =	vst v30  }
0x135: {  	v29 =	vld.idx.msk [tilespmem:v29+s6+$0x0], $0xffff  }
0x136: {  	v30 =	vld.idx.msk [tilespmem:v14+s22+$0x0], $0xffff;
	_ =	sdelay $0x4  }
0x137: {  	v30 =	vadd.f32 v30, v29;
	_ =	sdelay $0x1  }
0x138: {  	[tilespmem:s13+$0xAC00] =	vst v30  }
0x139: {  	v30 =	vld.idx.msk [tilespmem:v22+s22+$0x0], $0xffff;
	_ =	sdelay $0x4  }
0x13a: {  	v30 =	vadd.f32 v30, v29;
	_ =	sdelay $0x1  }
0x13b: {  	[tilespmem:s12+$0x800] =	vst v30  }
0x13c: {  	v30 =	vld.idx.msk [tilespmem:v23+s22+$0x0], $0xffff;
	_ =	sdelay $0x4  }
0x13d: {  	v30 =	vadd.f32 v30, v29;
	_ =	sdelay $0x1  }
0x13e: {  	[tilespmem:s12+$0x920] =	vst v30  }
0x13f: {  	v30 =	vld.idx.msk [tilespmem:v24+s22+$0x0], $0xffff;
	_ =	sdelay $0x4  }
0x140: {  	v30 =	vadd.f32 v30, v29;
	_ =	sdelay $0x1  }
0x141: {  	[tilespmem:s12+$0xA40] =	vst v30  }
0x142: {  	v30 =	vld.idx.msk [tilespmem:v25+s22+$0x0], $0xffff;
	_ =	sdelay $0x4  }
0x143: {  	v30 =	vadd.f32 v30, v29;
	_ =	sdelay $0x1  }
0x144: {  	[tilespmem:s13+$0xB080] =	vst v30  }
0x145: {  	v30 =	vld.idx.msk [tilespmem:v26+s22+$0x0], $0xffff;
	_ =	sdelay $0x4  }
0x146: {  	v30 =	vadd.f32 v30, v29;
	_ =	sdelay $0x1  }
0x147: {  	[tilespmem:s12+$0xC80] =	vst v30  }
0x148: {  	v30 =	vld.idx.msk [tilespmem:v27+s22+$0x0], $0xffff;
	_ =	sdelay $0x4  }
0x149: {  	v29 =	vadd.f32 v30, v29;
	_ =	sdelay $0x1  }
0x14a: {  	[tilespmem:s12+$0xDA0] =	vst v29  }
0x14b: {  	_ =	strace $0x90000049  }
0x14c: {  	s13 =	rddreg [dreg:$0x6]  }
0x14d: {  	[tilespmem:s25], [sflag:$0x3] =	stream.strided.gather [hbm4b:s13+s23], $0x800, s24, s23, $0x38;
	[tilespmem:$0x13C00] =	vst v63  }
0x14e: {  	_ =	swait.ge [sflag:s21], $0x800  }
0x14f: {  	[sflag:s21] =	ssyncset.done $0x0  }
0x150: {  	s14 =	rddreg [dreg:$0x7];
	[sflag:s21] =	ssyncadd.s32 $0xFFFFF800  }
0x151: {  	[tilespmem:s26], [sflag:$0x3] =	stream.strided.gather [hbm4b:s14+s23], $0x800, s24, s23, $0x38;
	[tilespmem:$0x13C00] =	vst v63  }
0x152: {  	_ =	swait.ge [sflag:s21], $0x800  }
0x153: {  	[sflag:s21] =	ssyncset.done $0x0  }
0x154: {  	s15 =	simm.s32 $0xB410;
	[sflag:s21] =	ssyncadd.s32 $0xFFFFF800  }
0x155: {  	s16 =	simm.s32 $0xBC10;
	v29 =	vld [tilespmem:s15+$0x0]  }
0x156: {  	v30 =	vld [tilespmem:s16+$0x0]  }
0x157: {  	v31 =	vld [tilespmem:s15+$0xFFFFFFF0]  }
0x158: {  	s17 =	simm.s32 $0xB430;
	v61 =	vld [tilespmem:s16+$0xFFFFFFF0]  }
0x159: {  	v33 =	vld [tilespmem:s17+$0x0];
	_ =	sdelay $0x2  }
0x15a: {  	v29 =	vmul.f32 $2.880000000e+02, v29;
	v30 =	vtrunc.f32 v30  }
0x15b: {  	v31 =	vmul.f32 $2.880000000e+02, v31;
	v32 =	vtrunc.f32 v61  }
0x15c: {  	v33 =	vmul.f32 $2.880000000e+02, v33;
	v30 =	vcvt.f32.s32 v30  }
0x15d: {  	s12 =	simm.s32 $0xBC30;
	v32 =	vcvt.f32.s32 v32;
	v29 =	vtrunc.f32 v29  }
0x15e: {  	v34 =	vld [tilespmem:s12+$0x0];
	v31 =	vtrunc.f32 v31;
	v29 =	vcvt.f32.s32 v29;
	vm0 =	vgt.s32 v30, $0x0  }
0x15f: {  	v35 =	vld [tilespmem:s12+$0xFFFFFFF0];
	v31 =	vcvt.f32.s32 v31;
	vm1 =	vgt.s32 v32, $0x0;
	v30 =	vnsel vm0, $0x0, v30  }
0x160: {  	v36 =	vld [tilespmem:s17+$0xFFFFFFF0];
	v32 =	vnsel vm1, $0x0, v32;
	vm14 =	vgt.s32 v29, $0x0;
	v30 =	vmin.u32 v30, $0x6  }
0x161: {  	vm15 =	vgt.s32 v31, $0x0;
	v29 =	vnsel vm14, $0x0, v29;
	v30 =	vmul.u32 $0x120, v30  }
0x162: {  	v32 =	vmin.u32 v32, $0x6;
	v31 =	vnsel vm15, $0x0, v31;
	v29 =	vmin.u32 v29, $0x11F  }
0x163: {  	v62 =	vmul.u32 $0x120, v32;
	v30 =	vadd.s32 v29, v30;
	v29 =	vtrunc.f32 v34  }
0x164: {  	s13 =	simm.s32 $0xC410;
	v33 =	vtrunc.f32 v33;
	v63 =	vmin.u32 v31, $0x11F;
	v29 =	vcvt.f32.s32 v29  }
0x165: {  	s14 =	simm.s32 $0x2;
	s15 =	simm.s32 $0xB450;
	v32 =	vtrunc.f32 v35;
	v31 =	vmul.f32 $2.880000000e+02, v36;
	[tilespmem:s13+$0x0] =	vst v30;
	v30 =	vadd.s32 v63, v62  }
.LBB2_4:
0x166: {  	v34 =	vld [tilespmem:s15+$0x0];
	v32 =	vcvt.f32.s32 v32;
	v33 =	vcvt.f32.s32 v33;
	vm0 =	vgt.s32 v29, $0x0;
	s12 =	sadd.s32 $0x20, s12;
	[tilespmem:s13+$0xFFFFFFF0] =	vst v30  }
0x167: {  	s14 =	sadd.s32 $0x2, s14;
	v30 =	vld [tilespmem:s12+$0x0];
	v31 =	vtrunc.f32 v31;
	v29 =	vnsel vm0, $0x0, v29  }
0x168: {  	p0 =	slt.u32 s14, $0x7E;
	v35 =	vld [tilespmem:s12+$0xFFFFFFF0];
	v31 =	vcvt.f32.s32 v31;
	vm0 =	vgt.s32 v33, $0x0;
	v29 =	vmin.u32 v29, $0x6  }
0x169: {  	vm1 =	vgt.s32 v32, $0x0;
	v36 =	vld [tilespmem:s15+$0xFFFFFFF0];
	v33 =	vnsel vm0, $0x0, v33;
	v29 =	vmul.u32 $0x120, v29  }
.Ltmp1:
0x16a: {  	v32 =	vnsel vm1, $0x0, v32;
	vm0 =	vgt.s32 v31, $0x0;
	v33 =	vmin.u32 v33, $0x11F;
	(pc) =	sbr.rel @p0 .LBB2_4-.Ltmp1, $4  }
0x16b: {  	s13 =	sadd.s32 $0x20, s13;
	v32 =	vmin.u32 v32, $0x6;
	v31 =	vnsel vm0, $0x0, v31;
	v29 =	vadd.s32 v33, v29  }
0x16c: {  	v33 =	vmul.f32 $2.880000000e+02, v34;
	v34 =	vmul.u32 $0x120, v32;
	v30 =	vtrunc.f32 v30;
	[tilespmem:s13+$0x0] =	vst v29  }
0x16d: {  	v32 =	vtrunc.f32 v35;
	v29 =	vcvt.f32.s32 v30;
	v30 =	vmin.u32 v31, $0x11F  }
0x16e: {  	s15 =	sadd.s32 $0x20, s15;
	v33 =	vtrunc.f32 v33;
	v31 =	vmul.f32 $2.880000000e+02, v36;
	v30 =	vadd.s32 v30, v34  }
0x16f: {  	v32 =	vcvt.f32.s32 v32;
	v33 =	vcvt.f32.s32 v33;
	vm0 =	vgt.s32 v29, $0x0  }
0x170: {  	v31 =	vtrunc.f32 v31;
	v29 =	vnsel vm0, $0x0, v29  }
0x171: {  	v31 =	vcvt.f32.s32 v31;
	vm10 =	vgt.s32 v33, $0x0;
	vm1 =	vgt.s32 v32, $0x0  }
0x172: {  	v29 =	vmin.u32 v29, $0x6;
	v33 =	vnsel vm10, $0x0, v33;
	v32 =	vnsel vm1, $0x0, v32  }
0x173: {  	v29 =	vmul.u32 $0x120, v29;
	vm11 =	vgt.s32 v31, $0x0;
	v32 =	vmin.u32 v32, $0x6  }
0x174: {  	v33 =	vmin.u32 v33, $0x11F;
	v31 =	vnsel vm11, $0x0, v31;
	v32 =	vmul.u32 $0x120, v32  }
0x175: {  	[tilespmem:s13+$0xFFFFFFF0] =	vst v30;
	s12 =	sadd.s32 $0x20, s13;
	v29 =	vadd.s32 v33, v29;
	v30 =	vmin.u32 v31, $0x11F  }
0x176: {  	[tilespmem:s12+$0x0] =	vst v29;
	v29 =	vadd.s32 v30, v32  }
0x177: {  	[tilespmem:s12+$0xFFFFFFF0] =	vst v29  }
0x178: {  	s12 =	rddreg [dreg:$0x8]  }
0x179: {  	[spmem:s12] =	stream.strided.scatter [tilespmem:s29], [sflag:$0x3], $0x800, s28, s23, $0x38;
	[tilespmem:$0x13C00] =	vst v63  }
0x17a: {  	_ =	swait.ge [sflag:s21], $0x800  }
0x17b: {  	[sflag:s21] =	ssyncset.done $0x0  }
0x17c: {  	s13 =	rddreg [dreg:$0x9];
	[sflag:s21] =	ssyncadd.s32 $0xFFFFF800  }
0x17d: {  	[tilespmem:s25], [sflag:$0x3] =	stream.strided.gather [hbm4b:s13+s23], $0x800, s24, s23, $0x38;
	[tilespmem:$0x13C00] =	vst v63  }
0x17e: {  	_ =	swait.ge [sflag:s21], $0x800  }
0x17f: {  	[sflag:s21] =	ssyncset.done $0x0  }
0x180: {  	s14 =	rddreg [dreg:$0xa];
	[sflag:s21] =	ssyncadd.s32 $0xFFFFF800  }
0x181: {  	[tilespmem:s26], [sflag:$0x3] =	stream.strided.gather [hbm4b:s14+s23], $0x800, s24, s23, $0x38;
	[tilespmem:$0x13C00] =	vst v63  }
0x182: {  	_ =	swait.ge [sflag:s21], $0x800  }
0x183: {  	[sflag:s21] =	ssyncset.done $0x0  }
0x184: {  	s15 =	simm.s32 $0xB410;
	[sflag:s21] =	ssyncadd.s32 $0xFFFFF800  }
0x185: {  	s16 =	simm.s32 $0xBC10;
	v29 =	vld [tilespmem:s15+$0x0]  }
0x186: {  	v30 =	vld [tilespmem:s16+$0x0]  }
0x187: {  	v31 =	vld [tilespmem:s15+$0xFFFFFFF0]  }
0x188: {  	s17 =	simm.s32 $0xB430;
	v60 =	vld [tilespmem:s16+$0xFFFFFFF0]  }
0x189: {  	v61 =	vld [tilespmem:s17+$0x0];
	_ =	sdelay $0x2  }
0x18a: {  	v29 =	vmul.f32 $2.880000000e+02, v29;
	v30 =	vtrunc.f32 v30  }
0x18b: {  	v31 =	vmul.f32 $2.880000000e+02, v31;
	v32 =	vtrunc.f32 v60  }
0x18c: {  	v33 =	vmul.f32 $2.880000000e+02, v61;
	v30 =	vcvt.f32.s32 v30  }
0x18d: {  	s12 =	simm.s32 $0xBC30;
	v32 =	vcvt.f32.s32 v32;
	v29 =	vtrunc.f32 v29  }
0x18e: {  	v34 =	vld [tilespmem:s12+$0x0];
	v31 =	vtrunc.f32 v31;
	v29 =	vcvt.f32.s32 v29;
	vm12 =	vgt.s32 v30, $0x0  }
0x18f: {  	v35 =	vld [tilespmem:s12+$0xFFFFFFF0];
	v31 =	vcvt.f32.s32 v31;
	vm14 =	vgt.s32 v32, $0x0;
	v30 =	vnsel vm12, $0x0, v30  }
0x190: {  	v36 =	vld [tilespmem:s17+$0xFFFFFFF0];
	v32 =	vnsel vm14, $0x0, v32;
	vm13 =	vgt.s32 v29, $0x0;
	v30 =	vmin.u32 v30, $0x6  }
0x191: {  	vm15 =	vgt.s32 v31, $0x0;
	v29 =	vnsel vm13, $0x0, v29;
	v30 =	vmul.u32 $0x120, v30  }
0x192: {  	v32 =	vmin.u32 v32, $0x6;
	v31 =	vnsel vm15, $0x0, v31;
	v29 =	vmin.u32 v29, $0x11F  }
0x193: {  	v62 =	vmul.u32 $0x120, v32;
	v30 =	vadd.s32 v29, v30;
	v29 =	vtrunc.f32 v34  }
0x194: {  	s13 =	simm.s32 $0xC410;
	v33 =	vtrunc.f32 v33;
	v63 =	vmin.u32 v31, $0x11F;
	v29 =	vcvt.f32.s32 v29  }
0x195: {  	s14 =	simm.s32 $0x2;
	s15 =	simm.s32 $0xB450;
	v32 =	vtrunc.f32 v35;
	v31 =	vmul.f32 $2.880000000e+02, v36;
	[tilespmem:s13+$0x0] =	vst v30;
	v30 =	vadd.s32 v63, v62  }
.LBB2_6:
0x196: {  	v34 =	vld [tilespmem:s15+$0x0];
	v32 =	vcvt.f32.s32 v32;
	v33 =	vcvt.f32.s32 v33;
	vm0 =	vgt.s32 v29, $0x0;
	s12 =	sadd.s32 $0x20, s12;
	[tilespmem:s13+$0xFFFFFFF0] =	vst v30  }
0x197: {  	s14 =	sadd.s32 $0x2, s14;
	v30 =	vld [tilespmem:s12+$0x0];
	v31 =	vtrunc.f32 v31;
	v29 =	vnsel vm0, $0x0, v29  }
0x198: {  	p0 =	slt.u32 s14, $0x7E;
	v35 =	vld [tilespmem:s12+$0xFFFFFFF0];
	v31 =	vcvt.f32.s32 v31;
	vm0 =	vgt.s32 v33, $0x0;
	v29 =	vmin.u32 v29, $0x6  }
0x199: {  	vm1 =	vgt.s32 v32, $0x0;
	v36 =	vld [tilespmem:s15+$0xFFFFFFF0];
	v33 =	vnsel vm0, $0x0, v33;
	v29 =	vmul.u32 $0x120, v29  }
.Ltmp2:
0x19a: {  	v32 =	vnsel vm1, $0x0, v32;
	vm0 =	vgt.s32 v31, $0x0;
	v33 =	vmin.u32 v33, $0x11F;
	(pc) =	sbr.rel @p0 .LBB2_6-.Ltmp2, $4  }
0x19b: {  	s13 =	sadd.s32 $0x20, s13;
	v32 =	vmin.u32 v32, $0x6;
	v31 =	vnsel vm0, $0x0, v31;
	v29 =	vadd.s32 v33, v29  }
0x19c: {  	v33 =	vmul.f32 $2.880000000e+02, v34;
	v34 =	vmul.u32 $0x120, v32;
	v30 =	vtrunc.f32 v30;
	[tilespmem:s13+$0x0] =	vst v29  }
0x19d: {  	v32 =	vtrunc.f32 v35;
	v29 =	vcvt.f32.s32 v30;
	v30 =	vmin.u32 v31, $0x11F  }
0x19e: {  	s15 =	sadd.s32 $0x20, s15;
	v33 =	vtrunc.f32 v33;
	v31 =	vmul.f32 $2.880000000e+02, v36;
	v30 =	vadd.s32 v30, v34  }
0x19f: {  	v32 =	vcvt.f32.s32 v32;
	v33 =	vcvt.f32.s32 v33;
	vm0 =	vgt.s32 v29, $0x0  }
0x1a0: {  	v31 =	vtrunc.f32 v31;
	v29 =	vnsel vm0, $0x0, v29  }
0x1a1: {  	v31 =	vcvt.f32.s32 v31;
	vm10 =	vgt.s32 v33, $0x0;
	vm1 =	vgt.s32 v32, $0x0  }
0x1a2: {  	v29 =	vmin.u32 v29, $0x6;
	v33 =	vnsel vm10, $0x0, v33;
	v32 =	vnsel vm1, $0x0, v32  }
0x1a3: {  	v29 =	vmul.u32 $0x120, v29;
	vm11 =	vgt.s32 v31, $0x0;
	v32 =	vmin.u32 v32, $0x6  }
0x1a4: {  	v33 =	vmin.u32 v33, $0x11F;
	v31 =	vnsel vm11, $0x0, v31;
	v32 =	vmul.u32 $0x120, v32  }
0x1a5: {  	[tilespmem:s13+$0xFFFFFFF0] =	vst v30;
	s12 =	sadd.s32 $0x20, s13;
	v29 =	vadd.s32 v33, v29;
	v30 =	vmin.u32 v31, $0x11F  }
0x1a6: {  	[tilespmem:s12+$0x0] =	vst v29;
	v29 =	vadd.s32 v30, v32  }
0x1a7: {  	[tilespmem:s12+$0xFFFFFFF0] =	vst v29  }
0x1a8: {  	s12 =	rddreg [dreg:$0xb]  }
0x1a9: {  	[spmem:s12] =	stream.strided.scatter [tilespmem:s29], [sflag:$0x3], $0x800, s28, s23, $0x38;
	[tilespmem:$0x13C00] =	vst v63  }
0x1aa: {  	_ =	swait.ge [sflag:s21], $0x800  }
0x1ab: {  	[sflag:s21] =	ssyncset.done $0x0  }
0x1ac: {  	s13 =	rddreg [dreg:$0xc];
	[sflag:s21] =	ssyncadd.s32 $0xFFFFF800  }
0x1ad: {  	[tilespmem:s25], [sflag:$0x3] =	stream.strided.gather [hbm4b:s13+s23], $0x800, s24, s23, $0x38;
	[tilespmem:$0x13C00] =	vst v63  }
0x1ae: {  	_ =	swait.ge [sflag:s21], $0x800  }
0x1af: {  	[sflag:s21] =	ssyncset.done $0x0  }
0x1b0: {  	s14 =	rddreg [dreg:$0xd];
	[sflag:s21] =	ssyncadd.s32 $0xFFFFF800  }
0x1b1: {  	[tilespmem:s26], [sflag:$0x3] =	stream.strided.gather [hbm4b:s14+s23], $0x800, s24, s23, $0x38;
	[tilespmem:$0x13C00] =	vst v63  }
0x1b2: {  	_ =	swait.ge [sflag:s21], $0x800  }
0x1b3: {  	[sflag:s21] =	ssyncset.done $0x0  }
0x1b4: {  	s15 =	simm.s32 $0xB410;
	[sflag:s21] =	ssyncadd.s32 $0xFFFFF800  }
0x1b5: {  	s16 =	simm.s32 $0xBC10;
	v29 =	vld [tilespmem:s15+$0x0]  }
0x1b6: {  	v30 =	vld [tilespmem:s16+$0x0]  }
0x1b7: {  	v31 =	vld [tilespmem:s15+$0xFFFFFFF0]  }
0x1b8: {  	s17 =	simm.s32 $0xB430;
	v60 =	vld [tilespmem:s16+$0xFFFFFFF0]  }
0x1b9: {  	v61 =	vld [tilespmem:s17+$0x0];
	_ =	sdelay $0x2  }
0x1ba: {  	v29 =	vmul.f32 $2.880000000e+02, v29;
	v30 =	vtrunc.f32 v30  }
0x1bb: {  	v31 =	vmul.f32 $2.880000000e+02, v31;
	v32 =	vtrunc.f32 v60  }
0x1bc: {  	v33 =	vmul.f32 $2.880000000e+02, v61;
	v30 =	vcvt.f32.s32 v30  }
0x1bd: {  	s12 =	simm.s32 $0xBC30;
	v32 =	vcvt.f32.s32 v32;
	v29 =	vtrunc.f32 v29  }
0x1be: {  	v34 =	vld [tilespmem:s12+$0x0];
	v31 =	vtrunc.f32 v31;
	v29 =	vcvt.f32.s32 v29;
	vm12 =	vgt.s32 v30, $0x0  }
0x1bf: {  	v35 =	vld [tilespmem:s12+$0xFFFFFFF0];
	v31 =	vcvt.f32.s32 v31;
	vm14 =	vgt.s32 v32, $0x0;
	v30 =	vnsel vm12, $0x0, v30  }
0x1c0: {  	v36 =	vld [tilespmem:s17+$0xFFFFFFF0];
	v32 =	vnsel vm14, $0x0, v32;
	vm13 =	vgt.s32 v29, $0x0;
	v30 =	vmin.u32 v30, $0x6  }
0x1c1: {  	vm15 =	vgt.s32 v31, $0x0;
	v29 =	vnsel vm13, $0x0, v29;
	v30 =	vmul.u32 $0x120, v30  }
0x1c2: {  	v32 =	vmin.u32 v32, $0x6;
	v31 =	vnsel vm15, $0x0, v31;
	v29 =	vmin.u32 v29, $0x11F  }
0x1c3: {  	v62 =	vmul.u32 $0x120, v32;
	v30 =	vadd.s32 v29, v30;
	v29 =	vtrunc.f32 v34  }
0x1c4: {  	s13 =	simm.s32 $0xC410;
	v33 =	vtrunc.f32 v33;
	v63 =	vmin.u32 v31, $0x11F;
	v29 =	vcvt.f32.s32 v29  }
0x1c5: {  	s14 =	simm.s32 $0x2;
	s15 =	simm.s32 $0xB450;
	v32 =	vtrunc.f32 v35;
	v31 =	vmul.f32 $2.880000000e+02, v36;
	[tilespmem:s13+$0x0] =	vst v30;
	v30 =	vadd.s32 v63, v62  }
.LBB2_8:
0x1c6: {  	v34 =	vld [tilespmem:s15+$0x0];
	v32 =	vcvt.f32.s32 v32;
	v33 =	vcvt.f32.s32 v33;
	vm0 =	vgt.s32 v29, $0x0;
	s12 =	sadd.s32 $0x20, s12;
	[tilespmem:s13+$0xFFFFFFF0] =	vst v30  }
0x1c7: {  	s14 =	sadd.s32 $0x2, s14;
	v30 =	vld [tilespmem:s12+$0x0];
	v31 =	vtrunc.f32 v31;
	v29 =	vnsel vm0, $0x0, v29  }
0x1c8: {  	p0 =	slt.u32 s14, $0x7E;
	v35 =	vld [tilespmem:s12+$0xFFFFFFF0];
	v31 =	vcvt.f32.s32 v31;
	vm0 =	vgt.s32 v33, $0x0;
	v29 =	vmin.u32 v29, $0x6  }
0x1c9: {  	vm1 =	vgt.s32 v32, $0x0;
	v36 =	vld [tilespmem:s15+$0xFFFFFFF0];
	v33 =	vnsel vm0, $0x0, v33;
	v29 =	vmul.u32 $0x120, v29  }
.Ltmp3:
0x1ca: {  	v32 =	vnsel vm1, $0x0, v32;
	vm0 =	vgt.s32 v31, $0x0;
	v33 =	vmin.u32 v33, $0x11F;
	(pc) =	sbr.rel @p0 .LBB2_8-.Ltmp3, $4  }
0x1cb: {  	s13 =	sadd.s32 $0x20, s13;
	v32 =	vmin.u32 v32, $0x6;
	v31 =	vnsel vm0, $0x0, v31;
	v29 =	vadd.s32 v33, v29  }
0x1cc: {  	v33 =	vmul.f32 $2.880000000e+02, v34;
	v34 =	vmul.u32 $0x120, v32;
	v30 =	vtrunc.f32 v30;
	[tilespmem:s13+$0x0] =	vst v29  }
0x1cd: {  	v32 =	vtrunc.f32 v35;
	v29 =	vcvt.f32.s32 v30;
	v30 =	vmin.u32 v31, $0x11F  }
0x1ce: {  	s15 =	sadd.s32 $0x20, s15;
	v33 =	vtrunc.f32 v33;
	v31 =	vmul.f32 $2.880000000e+02, v36;
	v30 =	vadd.s32 v30, v34  }
0x1cf: {  	v32 =	vcvt.f32.s32 v32;
	v33 =	vcvt.f32.s32 v33;
	vm0 =	vgt.s32 v29, $0x0  }
0x1d0: {  	v31 =	vtrunc.f32 v31;
	v29 =	vnsel vm0, $0x0, v29  }
0x1d1: {  	v31 =	vcvt.f32.s32 v31;
	vm10 =	vgt.s32 v33, $0x0;
	vm1 =	vgt.s32 v32, $0x0  }
0x1d2: {  	v29 =	vmin.u32 v29, $0x6;
	v33 =	vnsel vm10, $0x0, v33;
	v32 =	vnsel vm1, $0x0, v32  }
0x1d3: {  	v29 =	vmul.u32 $0x120, v29;
	vm11 =	vgt.s32 v31, $0x0;
	v32 =	vmin.u32 v32, $0x6  }
0x1d4: {  	v33 =	vmin.u32 v33, $0x11F;
	v31 =	vnsel vm11, $0x0, v31;
	v32 =	vmul.u32 $0x120, v32  }
0x1d5: {  	[tilespmem:s13+$0xFFFFFFF0] =	vst v30;
	s12 =	sadd.s32 $0x20, s13;
	v29 =	vadd.s32 v33, v29;
	v30 =	vmin.u32 v31, $0x11F  }
0x1d6: {  	[tilespmem:s12+$0x0] =	vst v29;
	v29 =	vadd.s32 v30, v32  }
0x1d7: {  	[tilespmem:s12+$0xFFFFFFF0] =	vst v29  }
0x1d8: {  	s12 =	rddreg [dreg:$0xe]  }
0x1d9: {  	[spmem:s12] =	stream.strided.scatter [tilespmem:s29], [sflag:$0x3], $0x800, s28, s23, $0x38;
	[tilespmem:$0x13C00] =	vst v63  }
0x1da: {  	_ =	swait.ge [sflag:s21], $0x800  }
0x1db: {  	[sflag:s21] =	ssyncset.done $0x0  }
0x1dc: {  	s13 =	rddreg [dreg:$0xf];
	[sflag:s21] =	ssyncadd.s32 $0xFFFFF800  }
0x1dd: {  	[tilespmem:s25], [sflag:$0x3] =	stream.strided.gather [hbm4b:s13+s23], $0x800, s24, s23, $0x38;
	[tilespmem:$0x13C00] =	vst v63  }
0x1de: {  	_ =	swait.ge [sflag:s21], $0x800  }
0x1df: {  	[sflag:s21] =	ssyncset.done $0x0  }
0x1e0: {  	s14 =	rddreg [dreg:$0x10];
	[sflag:s21] =	ssyncadd.s32 $0xFFFFF800  }
0x1e1: {  	[tilespmem:s26], [sflag:$0x3] =	stream.strided.gather [hbm4b:s14+s23], $0x800, s24, s23, $0x38;
	[tilespmem:$0x13C00] =	vst v63  }
0x1e2: {  	_ =	swait.ge [sflag:s21], $0x800  }
0x1e3: {  	[sflag:s21] =	ssyncset.done $0x0  }
0x1e4: {  	s15 =	simm.s32 $0xB410;
	[sflag:s21] =	ssyncadd.s32 $0xFFFFF800  }
0x1e5: {  	s16 =	simm.s32 $0xBC10;
	v29 =	vld [tilespmem:s15+$0x0]  }
0x1e6: {  	v30 =	vld [tilespmem:s16+$0x0]  }
0x1e7: {  	v31 =	vld [tilespmem:s15+$0xFFFFFFF0]  }
0x1e8: {  	s17 =	simm.s32 $0xB430;
	v60 =	vld [tilespmem:s16+$0xFFFFFFF0]  }
0x1e9: {  	v61 =	vld [tilespmem:s17+$0x0];
	_ =	sdelay $0x2  }
0x1ea: {  	v29 =	vmul.f32 $2.880000000e+02, v29;
	v30 =	vtrunc.f32 v30  }
0x1eb: {  	v31 =	vmul.f32 $2.880000000e+02, v31;
	v32 =	vtrunc.f32 v60  }
0x1ec: {  	v33 =	vmul.f32 $2.880000000e+02, v61;
	v30 =	vcvt.f32.s32 v30  }
0x1ed: {  	s12 =	simm.s32 $0xBC30;
	v32 =	vcvt.f32.s32 v32;
	v29 =	vtrunc.f32 v29  }
0x1ee: {  	v34 =	vld [tilespmem:s12+$0x0];
	v31 =	vtrunc.f32 v31;
	v29 =	vcvt.f32.s32 v29;
	vm12 =	vgt.s32 v30, $0x0  }
0x1ef: {  	v35 =	vld [tilespmem:s12+$0xFFFFFFF0];
	v31 =	vcvt.f32.s32 v31;
	vm14 =	vgt.s32 v32, $0x0;
	v30 =	vnsel vm12, $0x0, v30  }
0x1f0: {  	v36 =	vld [tilespmem:s17+$0xFFFFFFF0];
	v32 =	vnsel vm14, $0x0, v32;
	vm13 =	vgt.s32 v29, $0x0;
	v30 =	vmin.u32 v30, $0x6  }
0x1f1: {  	vm15 =	vgt.s32 v31, $0x0;
	v29 =	vnsel vm13, $0x0, v29;
	v30 =	vmul.u32 $0x120, v30  }
0x1f2: {  	v32 =	vmin.u32 v32, $0x6;
	v31 =	vnsel vm15, $0x0, v31;
	v29 =	vmin.u32 v29, $0x11F  }
0x1f3: {  	v62 =	vmul.u32 $0x120, v32;
	v30 =	vadd.s32 v29, v30;
	v29 =	vtrunc.f32 v34  }
0x1f4: {  	s13 =	simm.s32 $0xC410;
	v33 =	vtrunc.f32 v33;
	v63 =	vmin.u32 v31, $0x11F;
	v29 =	vcvt.f32.s32 v29  }
0x1f5: {  	s14 =	simm.s32 $0x2;
	s15 =	simm.s32 $0xB450;
	v32 =	vtrunc.f32 v35;
	v31 =	vmul.f32 $2.880000000e+02, v36;
	[tilespmem:s13+$0x0] =	vst v30;
	v30 =	vadd.s32 v63, v62  }
.LBB2_10:
0x1f6: {  	v34 =	vld [tilespmem:s15+$0x0];
	v32 =	vcvt.f32.s32 v32;
	v33 =	vcvt.f32.s32 v33;
	vm0 =	vgt.s32 v29, $0x0;
	s12 =	sadd.s32 $0x20, s12;
	[tilespmem:s13+$0xFFFFFFF0] =	vst v30  }
0x1f7: {  	s14 =	sadd.s32 $0x2, s14;
	v30 =	vld [tilespmem:s12+$0x0];
	v31 =	vtrunc.f32 v31;
	v29 =	vnsel vm0, $0x0, v29  }
0x1f8: {  	p0 =	slt.u32 s14, $0x7E;
	v35 =	vld [tilespmem:s12+$0xFFFFFFF0];
	v31 =	vcvt.f32.s32 v31;
	vm0 =	vgt.s32 v33, $0x0;
	v29 =	vmin.u32 v29, $0x6  }
0x1f9: {  	vm1 =	vgt.s32 v32, $0x0;
	v36 =	vld [tilespmem:s15+$0xFFFFFFF0];
	v33 =	vnsel vm0, $0x0, v33;
	v29 =	vmul.u32 $0x120, v29  }
.Ltmp4:
0x1fa: {  	v32 =	vnsel vm1, $0x0, v32;
	vm0 =	vgt.s32 v31, $0x0;
	v33 =	vmin.u32 v33, $0x11F;
	(pc) =	sbr.rel @p0 .LBB2_10-.Ltmp4, $4  }
0x1fb: {  	s13 =	sadd.s32 $0x20, s13;
	v32 =	vmin.u32 v32, $0x6;
	v31 =	vnsel vm0, $0x0, v31;
	v29 =	vadd.s32 v33, v29  }
0x1fc: {  	v33 =	vmul.f32 $2.880000000e+02, v34;
	v34 =	vmul.u32 $0x120, v32;
	v30 =	vtrunc.f32 v30;
	[tilespmem:s13+$0x0] =	vst v29  }
0x1fd: {  	v32 =	vtrunc.f32 v35;
	v29 =	vcvt.f32.s32 v30;
	v30 =	vmin.u32 v31, $0x11F  }
0x1fe: {  	s15 =	sadd.s32 $0x20, s15;
	v33 =	vtrunc.f32 v33;
	v31 =	vmul.f32 $2.880000000e+02, v36;
	v30 =	vadd.s32 v30, v34  }
0x1ff: {  	v32 =	vcvt.f32.s32 v32;
	v33 =	vcvt.f32.s32 v33;
	vm0 =	vgt.s32 v29, $0x0  }
0x200: {  	v31 =	vtrunc.f32 v31;
	v29 =	vnsel vm0, $0x0, v29  }
0x201: {  	v31 =	vcvt.f32.s32 v31;
	vm14 =	vgt.s32 v33, $0x0;
	vm1 =	vgt.s32 v32, $0x0  }
0x202: {  	v29 =	vmin.u32 v29, $0x6;
	v33 =	vnsel vm14, $0x0, v33;
	v32 =	vnsel vm1, $0x0, v32  }
0x203: {  	v29 =	vmul.u32 $0x120, v29;
	vm15 =	vgt.s32 v31, $0x0;
	v32 =	vmin.u32 v32, $0x6  }
0x204: {  	v33 =	vmin.u32 v33, $0x11F;
	v31 =	vnsel vm15, $0x0, v31;
	v32 =	vmul.u32 $0x120, v32  }
0x205: {  	[tilespmem:s13+$0xFFFFFFF0] =	vst v30;
	s12 =	sadd.s32 $0x20, s13;
	v29 =	vadd.s32 v33, v29;
	v30 =	vmin.u32 v31, $0x11F  }
0x206: {  	[tilespmem:s12+$0x0] =	vst v29;
	v29 =	vadd.s32 v30, v32  }
0x207: {  	[tilespmem:s12+$0xFFFFFFF0] =	vst v29  }
0x208: {  	[spmem:s18] =	stream.strided.scatter [tilespmem:s29], [sflag:$0x3], $0x800, s28, s23, $0x38;
	[tilespmem:$0x13C00] =	vst v63  }
0x209: {  	_ =	swait.ge [sflag:s21], $0x800  }
0x20a: {  	[sflag:s21] =	ssyncset.done $0x0  }
0x20b: {  	[sflag:s21] =	ssyncadd.s32 $0xFFFFF800  }
0x20c: {  	_ =	strace $0x8000004A  }
0x20d: {  	[bflag:$0x0] =	sbarrier.arrive $0xFFFF  }
0x20e: {  	s17 =	simm.s32 $0xCC00;
	_ =	strace $0x9000004A  }
0x20f: {  	[tilespmem:s17], [sflag:$0x1] =	stream.strided.gather [spmem:s4], $0x800, s28, s23, $0x38;
	[tilespmem:$0x13C00] =	vst v63  }
0x210: {  	s12 =	simm.s32 $0x0;
	_ =	strace $0x8000004B  }
.LBB2_12:
0x211: {  	s13 =	sshllo.u32 s12, $0x1;
	s14 =	sshll.u32 s12, $0xC  }
0x212: {  	_ =	swait.ge [sflag:s31], $0x800;
	s14 =	sand.u32 $0x1C000, s14;
	s15 =	sshll.u32 s13, $0x7  }
0x213: {  	[sflag:s31] =	ssyncset.done $0x0;
	s15 =	sand.u32 $0x380, s15;
	s14 =	sadd.s32 s14, s4  }
0x214: {  	p0 =	seq.s32 s12, $0x0;
	[sflag:s31] =	ssyncadd.s32 $0xFFFFF800;
	s14 =	sadd.s32 s15, s14  }
0x215: {  	[tilespmem:s0], [sflag:$0x1] =	stream.strided.gather [spmem:s14], $0x800, s28, s23, $0x200038;
	[tilespmem:$0x13C00] =	vst v63  }
0x216: {  	s14 =	simm.s32 @!p0 $0x2  }
0x217: {  	_ =	swait.ge @!p0 [sflag:s14], $0x2000  }
0x218: {  	[sflag:s14] =	ssyncset.done @!p0 $0x0  }
0x219: {  	s17 =	simm.s32 $0xCC40;
	[sflag:s14] =	ssyncadd.s32 @!p0 $0xFFFFE000  }
0x21a: {  	v29 =	vld [tilespmem:s17+$0x30]  }
0x21b: {  	v30 =	vld [tilespmem:s17+$0xFFFFFFD0]  }
0x21c: {  	v31 =	vld [tilespmem:s17+$0xFFFFFFE0]  }
0x21d: {  	v32 =	vld [tilespmem:s17+$0xFFFFFFF0]  }
0x21e: {  	v33 =	vld [tilespmem:s17+$0x0]  }
0x21f: {  	v34 =	vld [tilespmem:s17+$0x10]  }
0x220: {  	v35 =	vld [tilespmem:s17+$0x20]  }
0x221: {  	v36 =	vld [tilespmem:s17+$0xFFFFFFC0]  }
0x222: {  	v37 =	vld.idx.msk [tilespmem:v29+s5+$0x0], $0xffff  }
0x223: {  	v38 =	vld.idx.msk [tilespmem:v30+s5+$0x0], $0xffff  }
0x224: {  	v39 =	vld.idx.msk [tilespmem:v31+s5+$0x0], $0xffff  }
0x225: {  	v40 =	vld.idx.msk [tilespmem:v32+s5+$0x0], $0xffff  }
0x226: {  	v41 =	vld.idx.msk [tilespmem:v33+s5+$0x0], $0xffff  }
0x227: {  	s14 =	simm.s32 $0xDD00;
	v42 =	vld.idx.msk [tilespmem:v34+s5+$0x0], $0xffff  }
0x228: {  	v43 =	vld.idx.msk [tilespmem:v35+s5+$0x0], $0xffff;
	[tilespmem:s14+$0xFFFFFF70] =	vst v37  }
0x229: {  	v50 =	vld.idx.msk [tilespmem:v36+s5+$0x0], $0xffff;
	[tilespmem:s14+$0xFFFFFF10] =	vst v38  }
0x22a: {  	[tilespmem:s14+$0xFFFFFF20] =	vst v39;
	v37 =	vld.idx.msk [tilespmem:v29+s1+$0x0], $0xffff  }
0x22b: {  	[tilespmem:s14+$0xFFFFFF30] =	vst v40;
	v51 =	vld.idx.msk [tilespmem:v30+s1+$0x0], $0xffff  }
0x22c: {  	[tilespmem:s14+$0xFFFFFF40] =	vst v41;
	v52 =	vld.idx.msk [tilespmem:v31+s1+$0x0], $0xffff  }
0x22d: {  	[tilespmem:s14+$0xFFFFFF50] =	vst v42;
	v53 =	vld.idx.msk [tilespmem:v32+s1+$0x0], $0xffff  }
0x22e: {  	[tilespmem:s14+$0xFFFFFF60] =	vst v43;
	v54 =	vld.idx.msk [tilespmem:v33+s1+$0x0], $0xffff  }
0x22f: {  	[tilespmem:s14+$0xFFFFFF00] =	vst v50;
	v55 =	vld.idx.msk [tilespmem:v34+s1+$0x0], $0xffff  }
0x230: {  	v38 =	vld.idx.msk [tilespmem:v36+s1+$0x0], $0xffff;
	[tilespmem:s14+$0xFFFFFFF0] =	vst v37  }
0x231: {  	v56 =	vld.idx.msk [tilespmem:v35+s1+$0x0], $0xffff;
	[tilespmem:s14+$0xFFFFFF90] =	vst v51  }
0x232: {  	[tilespmem:s14+$0xFFFFFFA0] =	vst v52;
	v37 =	vld.idx.msk [tilespmem:v29+s2+$0x0], $0xffff  }
0x233: {  	[tilespmem:s14+$0xFFFFFFB0] =	vst v53;
	v57 =	vld.idx.msk [tilespmem:v30+s2+$0x0], $0xffff  }
0x234: {  	[tilespmem:s14+$0xFFFFFFC0] =	vst v54;
	v58 =	vld.idx.msk [tilespmem:v31+s2+$0x0], $0xffff  }
0x235: {  	[tilespmem:s14+$0xFFFFFFD0] =	vst v55;
	v59 =	vld.idx.msk [tilespmem:v32+s2+$0x0], $0xffff  }
0x236: {  	[tilespmem:s14+$0xFFFFFF80] =	vst v38;
	v60 =	vld.idx.msk [tilespmem:v33+s2+$0x0], $0xffff  }
0x237: {  	[tilespmem:s14+$0xFFFFFFE0] =	vst v56;
	v38 =	vld.idx.msk [tilespmem:v36+s2+$0x0], $0xffff  }
0x238: {  	v61 =	vld.idx.msk [tilespmem:v34+s2+$0x0], $0xffff;
	[tilespmem:s14+$0x70] =	vst v37  }
0x239: {  	v62 =	vld.idx.msk [tilespmem:v35+s2+$0x0], $0xffff;
	[tilespmem:s14+$0x10] =	vst v57  }
0x23a: {  	[tilespmem:s14+$0x20] =	vst v58;
	v37 =	vld.idx.msk [tilespmem:v29+s30+$0x0], $0xffff  }
0x23b: {  	[tilespmem:s14+$0x30] =	vst v59;
	v63 =	vld.idx.msk [tilespmem:v30+s30+$0x0], $0xffff  }
0x23c: {  	[tilespmem:s14+$0x40] =	vst v60;
	v29 =	vld.idx.msk [tilespmem:v31+s30+$0x0], $0xffff  }
0x23d: {  	[tilespmem:s14+$0x0] =	vst v38;
	v30 =	vld.idx.msk [tilespmem:v32+s30+$0x0], $0xffff  }
0x23e: {  	[tilespmem:s14+$0x50] =	vst v61;
	v33 =	vld.idx.msk [tilespmem:v33+s30+$0x0], $0xffff  }
0x23f: {  	[tilespmem:s14+$0x60] =	vst v62;
	v31 =	vld.idx.msk [tilespmem:v36+s30+$0x0], $0xffff  }
0x240: {  	v32 =	vld.idx.msk [tilespmem:v34+s30+$0x0], $0xffff;
	[tilespmem:s14+$0xF0] =	vst v37  }
0x241: {  	s16 =	simm.s32 $0x0;
	s15 =	sshll.u32 s12, $0x1;
	s17 =	simm.s32 $0xCCC0;
	v34 =	vld.idx.msk [tilespmem:v35+s30+$0x0], $0xffff;
	[tilespmem:s14+$0x90] =	vst v63  }
.LBB2_13:
0x242: {  	v35 =	vld [tilespmem:s17+$0x30];
	s16 =	sadd.s32 $0x8, s16;
	[tilespmem:s14+$0xA0] =	vst v29  }
0x243: {  	v29 =	vld [tilespmem:s17+$0xFFFFFFD0];
	p0 =	slt.u32 s16, $0x78;
	[tilespmem:s14+$0xB0] =	vst v30  }
0x244: {  	v30 =	vld [tilespmem:s17+$0xFFFFFFE0];
	[tilespmem:s14+$0xC0] =	vst v33  }
0x245: {  	v33 =	vld [tilespmem:s17+$0xFFFFFFF0];
	[tilespmem:s14+$0x80] =	vst v31  }
0x246: {  	v31 =	vld [tilespmem:s17+$0x0];
	[tilespmem:s14+$0xD0] =	vst v32  }
0x247: {  	v32 =	vld [tilespmem:s17+$0x10];
	[tilespmem:s14+$0xE0] =	vst v34  }
0x248: {  	v34 =	vld [tilespmem:s17+$0x20]  }
0x249: {  	v36 =	vld [tilespmem:s17+$0xFFFFFFC0]  }
0x24a: {  	v37 =	vld.idx.msk [tilespmem:v35+s5+$0x0], $0xffff  }
0x24b: {  	v38 =	vld.idx.msk [tilespmem:v29+s5+$0x0], $0xffff  }
0x24c: {  	v39 =	vld.idx.msk [tilespmem:v30+s5+$0x0], $0xffff  }
0x24d: {  	v40 =	vld.idx.msk [tilespmem:v33+s5+$0x0], $0xffff  }
0x24e: {  	v41 =	vld.idx.msk [tilespmem:v31+s5+$0x0], $0xffff  }
0x24f: {  	s14 =	sadd.s32 $0x200, s14;
	v42 =	vld.idx.msk [tilespmem:v32+s5+$0x0], $0xffff  }
0x250: {  	v43 =	vld.idx.msk [tilespmem:v34+s5+$0x0], $0xffff;
	[tilespmem:s14+$0xFFFFFF70] =	vst v37  }
0x251: {  	[tilespmem:s14+$0xFFFFFF10] =	vst v38;
	v37 =	vld.idx.msk [tilespmem:v35+s1+$0x0], $0xffff  }
0x252: {  	v38 =	vld.idx.msk [tilespmem:v36+s5+$0x0], $0xffff;
	[tilespmem:s14+$0xFFFFFF20] =	vst v39  }
0x253: {  	v39 =	vld.idx.msk [tilespmem:v29+s1+$0x0], $0xffff;
	[tilespmem:s14+$0xFFFFFF30] =	vst v40  }
0x254: {  	v40 =	vld.idx.msk [tilespmem:v30+s1+$0x0], $0xffff;
	[tilespmem:s14+$0xFFFFFF40] =	vst v41  }
0x255: {  	v41 =	vld.idx.msk [tilespmem:v33+s1+$0x0], $0xffff;
	[tilespmem:s14+$0xFFFFFF50] =	vst v42  }
0x256: {  	v42 =	vld.idx.msk [tilespmem:v31+s1+$0x0], $0xffff;
	[tilespmem:s14+$0xFFFFFF60] =	vst v43  }
0x257: {  	v43 =	vld.idx.msk [tilespmem:v32+s1+$0x0], $0xffff;
	[tilespmem:s14+$0xFFFFFFF0] =	vst v37  }
0x258: {  	[tilespmem:s14+$0xFFFFFF00] =	vst v38;
	v37 =	vld.idx.msk [tilespmem:v35+s2+$0x0], $0xffff  }
0x259: {  	v38 =	vld.idx.msk [tilespmem:v36+s1+$0x0], $0xffff;
	[tilespmem:s14+$0xFFFFFF90] =	vst v39  }
0x25a: {  	[tilespmem:s14+$0xFFFFFFA0] =	vst v40;
	v39 =	vld.idx.msk [tilespmem:v34+s1+$0x0], $0xffff  }
0x25b: {  	v40 =	vld.idx.msk [tilespmem:v29+s2+$0x0], $0xffff;
	[tilespmem:s14+$0xFFFFFFB0] =	vst v41  }
0x25c: {  	v41 =	vld.idx.msk [tilespmem:v30+s2+$0x0], $0xffff;
	[tilespmem:s14+$0xFFFFFFC0] =	vst v42  }
0x25d: {  	v42 =	vld.idx.msk [tilespmem:v33+s2+$0x0], $0xffff;
	[tilespmem:s14+$0xFFFFFFD0] =	vst v43  }
0x25e: {  	v43 =	vld.idx.msk [tilespmem:v31+s2+$0x0], $0xffff;
	[tilespmem:s14+$0x70] =	vst v37  }
0x25f: {  	[tilespmem:s14+$0xFFFFFF80] =	vst v38;
	v35 =	vld.idx.msk [tilespmem:v35+s30+$0x0], $0xffff  }
0x260: {  	v37 =	vld.idx.msk [tilespmem:v36+s2+$0x0], $0xffff;
	[tilespmem:s14+$0xFFFFFFE0] =	vst v39  }
0x261: {  	[tilespmem:s14+$0x10] =	vst v40;
	v38 =	vld.idx.msk [tilespmem:v32+s2+$0x0], $0xffff  }
0x262: {  	[tilespmem:s14+$0x20] =	vst v41;
	v39 =	vld.idx.msk [tilespmem:v34+s2+$0x0], $0xffff  }
0x263: {  	v40 =	vld.idx.msk [tilespmem:v29+s30+$0x0], $0xffff;
	[tilespmem:s14+$0x30] =	vst v42  }
0x264: {  	v29 =	vld.idx.msk [tilespmem:v30+s30+$0x0], $0xffff;
	[tilespmem:s14+$0x40] =	vst v43  }
.Ltmp5:
0x265: {  	v30 =	vld.idx.msk [tilespmem:v33+s30+$0x0], $0xffff;
	[tilespmem:s14+$0xF0] =	vst v35;
	(pc) =	sbr.rel @p0 .LBB2_13-.Ltmp5, $4  }
0x266: {  	[tilespmem:s14+$0x0] =	vst v37;
	v33 =	vld.idx.msk [tilespmem:v31+s30+$0x0], $0xffff  }
0x267: {  	v31 =	vld.idx.msk [tilespmem:v36+s30+$0x0], $0xffff;
	[tilespmem:s14+$0x50] =	vst v38  }
0x268: {  	v32 =	vld.idx.msk [tilespmem:v32+s30+$0x0], $0xffff;
	[tilespmem:s14+$0x60] =	vst v39  }
0x269: {  	s17 =	sadd.s32 $0x80, s17;
	[tilespmem:s14+$0x90] =	vst v40;
	v34 =	vld.idx.msk [tilespmem:v34+s30+$0x0], $0xffff  }
0x26a: {  	[tilespmem:s14+$0xA0] =	vst v29  }
0x26b: {  	[tilespmem:s14+$0xB0] =	vst v30  }
0x26c: {  	s16 =	sshll.u32 s12, $0x13;
	[tilespmem:s14+$0xC0] =	vst v33  }
0x26d: {  	s16 =	sor.u32 s20, s16;
	[tilespmem:s14+$0x80] =	vst v31  }
0x26e: {  	p0 =	seq.s32 s12, $0x1F;
	s16 =	sshrl.u32 s16, $0x3;
	[tilespmem:s14+$0xD0] =	vst v32  }
0x26f: {  	p1 =	seq.s32 @!p0 s12, $0x0;
	s16 =	sadd.s32 s3, s16;
	[tilespmem:s14+$0xE0] =	vst v34;
	s14 =	sadd.s32 @!p0 $0x2, s15  }
0x270: {  	[hbm4b:s16+s7] =	stream.strided.scatter [tilespmem:s8], [sflag:$0x2], $0x2000, s28, s7, $0x200038;
	[tilespmem:$0x13C00] =	vst v63  }
0x271: {  	s17 =	simm.s32 @!p0 $0xCC00;
	s15 =	sshll.u32 @!p0 s14, $0xB;
	s14 =	sshll.u32 @!p0 s14, $0x7  }
0x272: {  	s16 =	simm.s32 @!p0 $0x400;
	_ =	swait.ge [sflag:s31], $0x800;
	s15 =	sand.u32 @!p0 $0x3C000, s15  }
0x273: {  	s14 =	sand.u32 @!p0 $0x300, s14;
	[sflag:s31] =	ssyncset.done $0x0;
	s15 =	sadd.s32 @!p0 s15, s4  }
0x274: {  	[sflag:s31] =	ssyncadd.s32 $0xFFFFF800;
	s14 =	sadd.s32 @!p0 s14, s15;
	s15 =	simm.s32 @!p0 $0x80  }
0x275: {  	[tilespmem:s17], [sflag:$0x1] =	stream.strided.gather @!p0 [spmem:s14], $0x800, s16, s15, $0x200038;
	[tilespmem:$0x13C00] =	vst v63  }
0x276: {  	p0 =	por p0, !p1  }
0x277: {  	_ =	swait.ge @p0 [sflag:s10], $0x2000  }
0x278: {  	[sflag:s10] =	ssyncset.done @p0 $0x0  }
0x279: {  	s17 =	simm.s32 $0xD440;
	[sflag:s10] =	ssyncadd.s32 @p0 $0xFFFFE000  }
0x27a: {  	v29 =	vld [tilespmem:s17+$0x30]  }
0x27b: {  	v30 =	vld [tilespmem:s17+$0xFFFFFFD0]  }
0x27c: {  	v31 =	vld [tilespmem:s17+$0xFFFFFFE0]  }
0x27d: {  	v47 =	vld [tilespmem:s17+$0xFFFFFFF0]  }
0x27e: {  	v48 =	vld [tilespmem:s17+$0x0]  }
0x27f: {  	v49 =	vld [tilespmem:s17+$0x10]  }
0x280: {  	v35 =	vld [tilespmem:s17+$0x20]  }
0x281: {  	v36 =	vld [tilespmem:s17+$0xFFFFFFC0]  }
0x282: {  	v37 =	vld.idx.msk [tilespmem:v29+s5+$0x0], $0xffff  }
0x283: {  	v38 =	vld.idx.msk [tilespmem:v30+s5+$0x0], $0xffff  }
0x284: {  	v39 =	vld.idx.msk [tilespmem:v31+s5+$0x0], $0xffff  }
0x285: {  	v40 =	vld.idx.msk [tilespmem:v47+s5+$0x0], $0xffff  }
0x286: {  	v41 =	vld.idx.msk [tilespmem:v48+s5+$0x0], $0xffff  }
0x287: {  	s14 =	simm.s32 $0xFD00;
	v42 =	vld.idx.msk [tilespmem:v49+s5+$0x0], $0xffff  }
0x288: {  	v43 =	vld.idx.msk [tilespmem:v35+s5+$0x0], $0xffff;
	[tilespmem:s14+$0xFFFFFF70] =	vst v37  }
0x289: {  	v50 =	vld.idx.msk [tilespmem:v36+s5+$0x0], $0xffff;
	[tilespmem:s14+$0xFFFFFF10] =	vst v38  }
0x28a: {  	[tilespmem:s14+$0xFFFFFF20] =	vst v39;
	v37 =	vld.idx.msk [tilespmem:v29+s1+$0x0], $0xffff  }
0x28b: {  	[tilespmem:s14+$0xFFFFFF30] =	vst v40;
	v51 =	vld.idx.msk [tilespmem:v30+s1+$0x0], $0xffff  }
0x28c: {  	[tilespmem:s14+$0xFFFFFF40] =	vst v41;
	v52 =	vld.idx.msk [tilespmem:v31+s1+$0x0], $0xffff  }
0x28d: {  	[tilespmem:s14+$0xFFFFFF50] =	vst v42;
	v53 =	vld.idx.msk [tilespmem:v47+s1+$0x0], $0xffff  }
0x28e: {  	[tilespmem:s14+$0xFFFFFF60] =	vst v43;
	v54 =	vld.idx.msk [tilespmem:v48+s1+$0x0], $0xffff  }
0x28f: {  	[tilespmem:s14+$0xFFFFFF00] =	vst v50;
	v55 =	vld.idx.msk [tilespmem:v49+s1+$0x0], $0xffff  }
0x290: {  	v38 =	vld.idx.msk [tilespmem:v36+s1+$0x0], $0xffff;
	[tilespmem:s14+$0xFFFFFFF0] =	vst v37  }
0x291: {  	v56 =	vld.idx.msk [tilespmem:v35+s1+$0x0], $0xffff;
	[tilespmem:s14+$0xFFFFFF90] =	vst v51  }
0x292: {  	[tilespmem:s14+$0xFFFFFFA0] =	vst v52;
	v37 =	vld.idx.msk [tilespmem:v29+s2+$0x0], $0xffff  }
0x293: {  	[tilespmem:s14+$0xFFFFFFB0] =	vst v53;
	v57 =	vld.idx.msk [tilespmem:v30+s2+$0x0], $0xffff  }
0x294: {  	[tilespmem:s14+$0xFFFFFFC0] =	vst v54;
	v58 =	vld.idx.msk [tilespmem:v31+s2+$0x0], $0xffff  }
0x295: {  	[tilespmem:s14+$0xFFFFFFD0] =	vst v55;
	v59 =	vld.idx.msk [tilespmem:v47+s2+$0x0], $0xffff  }
0x296: {  	[tilespmem:s14+$0xFFFFFF80] =	vst v38;
	v60 =	vld.idx.msk [tilespmem:v48+s2+$0x0], $0xffff  }
0x297: {  	[tilespmem:s14+$0xFFFFFFE0] =	vst v56;
	v38 =	vld.idx.msk [tilespmem:v36+s2+$0x0], $0xffff  }
0x298: {  	v61 =	vld.idx.msk [tilespmem:v49+s2+$0x0], $0xffff;
	[tilespmem:s14+$0x70] =	vst v37  }
0x299: {  	v62 =	vld.idx.msk [tilespmem:v35+s2+$0x0], $0xffff;
	[tilespmem:s14+$0x10] =	vst v57  }
0x29a: {  	[tilespmem:s14+$0x20] =	vst v58;
	v37 =	vld.idx.msk [tilespmem:v29+s30+$0x0], $0xffff  }
0x29b: {  	[tilespmem:s14+$0x30] =	vst v59;
	v63 =	vld.idx.msk [tilespmem:v30+s30+$0x0], $0xffff  }
0x29c: {  	[tilespmem:s14+$0x40] =	vst v60;
	v29 =	vld.idx.msk [tilespmem:v31+s30+$0x0], $0xffff  }
0x29d: {  	[tilespmem:s14+$0x0] =	vst v38;
	v30 =	vld.idx.msk [tilespmem:v47+s30+$0x0], $0xffff  }
0x29e: {  	[tilespmem:s14+$0x50] =	vst v61;
	v33 =	vld.idx.msk [tilespmem:v48+s30+$0x0], $0xffff  }
0x29f: {  	[tilespmem:s14+$0x60] =	vst v62;
	v31 =	vld.idx.msk [tilespmem:v36+s30+$0x0], $0xffff  }
0x2a0: {  	v32 =	vld.idx.msk [tilespmem:v49+s30+$0x0], $0xffff;
	[tilespmem:s14+$0xF0] =	vst v37  }
0x2a1: {  	s15 =	simm.s32 $0x0;
	s16 =	simm.s32 $0xD4C0;
	v34 =	vld.idx.msk [tilespmem:v35+s30+$0x0], $0xffff;
	[tilespmem:s14+$0x90] =	vst v63  }
.LBB2_15:
0x2a2: {  	v35 =	vld [tilespmem:s16+$0x30];
	s15 =	sadd.s32 $0x8, s15;
	[tilespmem:s14+$0xA0] =	vst v29  }
0x2a3: {  	v29 =	vld [tilespmem:s16+$0xFFFFFFD0];
	p0 =	slt.u32 s15, $0x78;
	[tilespmem:s14+$0xB0] =	vst v30  }
0x2a4: {  	v30 =	vld [tilespmem:s16+$0xFFFFFFE0];
	[tilespmem:s14+$0xC0] =	vst v33  }
0x2a5: {  	v33 =	vld [tilespmem:s16+$0xFFFFFFF0];
	[tilespmem:s14+$0x80] =	vst v31  }
0x2a6: {  	v31 =	vld [tilespmem:s16+$0x0];
	[tilespmem:s14+$0xD0] =	vst v32  }
0x2a7: {  	v32 =	vld [tilespmem:s16+$0x10];
	[tilespmem:s14+$0xE0] =	vst v34  }
0x2a8: {  	v34 =	vld [tilespmem:s16+$0x20]  }
0x2a9: {  	v36 =	vld [tilespmem:s16+$0xFFFFFFC0]  }
0x2aa: {  	v37 =	vld.idx.msk [tilespmem:v35+s5+$0x0], $0xffff  }
0x2ab: {  	v38 =	vld.idx.msk [tilespmem:v29+s5+$0x0], $0xffff  }
0x2ac: {  	v39 =	vld.idx.msk [tilespmem:v30+s5+$0x0], $0xffff  }
0x2ad: {  	v40 =	vld.idx.msk [tilespmem:v33+s5+$0x0], $0xffff  }
0x2ae: {  	v41 =	vld.idx.msk [tilespmem:v31+s5+$0x0], $0xffff  }
0x2af: {  	s14 =	sadd.s32 $0x200, s14;
	v42 =	vld.idx.msk [tilespmem:v32+s5+$0x0], $0xffff  }
0x2b0: {  	v43 =	vld.idx.msk [tilespmem:v34+s5+$0x0], $0xffff;
	[tilespmem:s14+$0xFFFFFF70] =	vst v37  }
0x2b1: {  	[tilespmem:s14+$0xFFFFFF10] =	vst v38;
	v37 =	vld.idx.msk [tilespmem:v35+s1+$0x0], $0xffff  }
0x2b2: {  	v38 =	vld.idx.msk [tilespmem:v36+s5+$0x0], $0xffff;
	[tilespmem:s14+$0xFFFFFF20] =	vst v39  }
0x2b3: {  	v39 =	vld.idx.msk [tilespmem:v29+s1+$0x0], $0xffff;
	[tilespmem:s14+$0xFFFFFF30] =	vst v40  }
0x2b4: {  	v40 =	vld.idx.msk [tilespmem:v30+s1+$0x0], $0xffff;
	[tilespmem:s14+$0xFFFFFF40] =	vst v41  }
0x2b5: {  	v41 =	vld.idx.msk [tilespmem:v33+s1+$0x0], $0xffff;
	[tilespmem:s14+$0xFFFFFF50] =	vst v42  }
0x2b6: {  	v42 =	vld.idx.msk [tilespmem:v31+s1+$0x0], $0xffff;
	[tilespmem:s14+$0xFFFFFF60] =	vst v43  }
0x2b7: {  	v43 =	vld.idx.msk [tilespmem:v32+s1+$0x0], $0xffff;
	[tilespmem:s14+$0xFFFFFFF0] =	vst v37  }
0x2b8: {  	[tilespmem:s14+$0xFFFFFF00] =	vst v38;
	v37 =	vld.idx.msk [tilespmem:v35+s2+$0x0], $0xffff  }
0x2b9: {  	v38 =	vld.idx.msk [tilespmem:v36+s1+$0x0], $0xffff;
	[tilespmem:s14+$0xFFFFFF90] =	vst v39  }
0x2ba: {  	[tilespmem:s14+$0xFFFFFFA0] =	vst v40;
	v39 =	vld.idx.msk [tilespmem:v34+s1+$0x0], $0xffff  }
0x2bb: {  	v40 =	vld.idx.msk [tilespmem:v29+s2+$0x0], $0xffff;
	[tilespmem:s14+$0xFFFFFFB0] =	vst v41  }
0x2bc: {  	v41 =	vld.idx.msk [tilespmem:v30+s2+$0x0], $0xffff;
	[tilespmem:s14+$0xFFFFFFC0] =	vst v42  }
0x2bd: {  	v42 =	vld.idx.msk [tilespmem:v33+s2+$0x0], $0xffff;
	[tilespmem:s14+$0xFFFFFFD0] =	vst v43  }
0x2be: {  	v43 =	vld.idx.msk [tilespmem:v31+s2+$0x0], $0xffff;
	[tilespmem:s14+$0x70] =	vst v37  }
0x2bf: {  	[tilespmem:s14+$0xFFFFFF80] =	vst v38;
	v35 =	vld.idx.msk [tilespmem:v35+s30+$0x0], $0xffff  }
0x2c0: {  	v37 =	vld.idx.msk [tilespmem:v36+s2+$0x0], $0xffff;
	[tilespmem:s14+$0xFFFFFFE0] =	vst v39  }
0x2c1: {  	[tilespmem:s14+$0x10] =	vst v40;
	v38 =	vld.idx.msk [tilespmem:v32+s2+$0x0], $0xffff  }
0x2c2: {  	[tilespmem:s14+$0x20] =	vst v41;
	v39 =	vld.idx.msk [tilespmem:v34+s2+$0x0], $0xffff  }
0x2c3: {  	v40 =	vld.idx.msk [tilespmem:v29+s30+$0x0], $0xffff;
	[tilespmem:s14+$0x30] =	vst v42  }
0x2c4: {  	v29 =	vld.idx.msk [tilespmem:v30+s30+$0x0], $0xffff;
	[tilespmem:s14+$0x40] =	vst v43  }
.Ltmp6:
0x2c5: {  	v30 =	vld.idx.msk [tilespmem:v33+s30+$0x0], $0xffff;
	[tilespmem:s14+$0xF0] =	vst v35;
	(pc) =	sbr.rel @p0 .LBB2_15-.Ltmp6, $4  }
0x2c6: {  	[tilespmem:s14+$0x0] =	vst v37;
	v33 =	vld.idx.msk [tilespmem:v31+s30+$0x0], $0xffff  }
0x2c7: {  	v31 =	vld.idx.msk [tilespmem:v36+s30+$0x0], $0xffff;
	[tilespmem:s14+$0x50] =	vst v38  }
0x2c8: {  	v32 =	vld.idx.msk [tilespmem:v32+s30+$0x0], $0xffff;
	[tilespmem:s14+$0x60] =	vst v39  }
0x2c9: {  	s16 =	sadd.s32 $0x80, s16;
	[tilespmem:s14+$0x90] =	vst v40;
	v34 =	vld.idx.msk [tilespmem:v34+s30+$0x0], $0xffff  }
0x2ca: {  	[tilespmem:s14+$0xA0] =	vst v29;
	s12 =	sadd.s32 $0x1, s12  }
0x2cb: {  	[tilespmem:s14+$0xB0] =	vst v30;
	p0 =	sne.s32 s12, $0x20  }
.Ltmp7:
0x2cc: {  	s13 =	sshll.u32 s13, $0x12;
	[tilespmem:s14+$0xC0] =	vst v33;
	(pc) =	sbr.rel @p0 .LBB2_12-.Ltmp7, $4  }
0x2cd: {  	s13 =	sor.u32 s20, s13;
	[tilespmem:s14+$0x80] =	vst v31  }
0x2ce: {  	s13 =	sshrl.u32 s13, $0x3;
	[tilespmem:s14+$0xD0] =	vst v32  }
0x2cf: {  	s13 =	sadd.s32 s3, s13;
	[tilespmem:s14+$0xE0] =	vst v34  }
0x2d0: {  	[hbm4b:s13+s7] =	stream.strided.scatter [tilespmem:s9], [sflag:$0x2], $0x2000, s28, s7, $0x200038;
	[tilespmem:$0x13C00] =	vst v63  }
0x2d1: {  	_ =	swait.ge [sflag:s10], $0x2000;
	s11 =	sadd.s32 $0x1, s11  }
0x2d2: {  	[sflag:s10] =	ssyncset.done $0x0;
	p0 =	sne.s32 s11, s19  }
.Ltmp8:
0x2d3: {  	[sflag:s10] =	ssyncadd.s32 $0xFFFFE000;
	(pc) =	sbr.rel @p0 .LBB2_1-.Ltmp8, $4  }
0x2d4: {  	_ =	swait.ge [sflag:s10], $0x2000  }
0x2d5: {  	[sflag:s10] =	ssyncset.done $0x0  }
0x2d6: {  	[sflag:s10] =	ssyncadd.s32 $0xFFFFE000  }
0x2d7: {  	_ =	strace $0x9000004B  }
0x2d8: {  	_ =	sfence.sel $0x180000  }
0x2d9: {  	[bflag:$0x0] =	sbarrier.arrive $0xFFFF  }
0x2da: {  	_ =	strace $0x90000047  }
0x2db: {  	s0 =	stileid.u32;
	[bflag:$0x2] =	sbarrier.arrive $0xFFFF  }
0x2dc: {  	p0 =	sne.s32 s0, $0x0;
	s0 =	rddreg [dreg:$0x5]  }
0x2dd: {  	s0 =	sadd.s32 @!p0 $0x100000, s0  }
0x2de: {  	[sflag:s0] =	ssyncadd.tile.s32 @!p0 $0x1;
	_ =	shalt  }
.Lfunc_end2:
_tile_overlayer_lowered:
.L_overlay_start_2:
0x2df: {  	(tag) =	ssettag $0x2  }
0x2e0: {  	s0 =	rddreg [dreg:$0x0];
	s2 =	stileid.u32  }
0x2e1: {  	s1 =	rddreg [dreg:$0x1];
	p0 =	sne.s32 s2, $0x0  }
0x2e2: {  	s3 =	rddreg [dreg:$0x2];
	[bflag:$0x3] =	sbarrier.arrive $0xFFFF;
	s2 =	simm.s32 @!p0 $0x1C03  }
0x2e3: {  	[timem:s3], [sflag:s2] =	dma.local @!p0 [hbm:s0], s1  }
0x2e4: {  	s0 =	simm.s32 @!p0 $0x3  }
0x2e5: {  	_ =	swait.ge @!p0 [sflag:s0], s1  }
0x2e6: {  	s1 =	ssub.s32 @!p0 $0x0, s1;
	[sflag:s0] =	ssyncset.done @!p0 $0x0  }
0x2e7: {  	[sflag:s0] =	ssyncadd.s32 @!p0 s1  }
0x2e8: {  	[bflag:$0x3] =	sbarrier.arrive $0xFFFF  }
0x2e9: {  	_ =	shalt  }

</sc_bundles>
